<compile_context>
chip_gen: v7x
topology: tpu7x:2x2x1
jax: 0.10.2.dev20260603
libtpu: 0.0.44.dev20260713+nightly
codegen_flags: <defaults>
</compile_context>

<pallas_src>
import functools
import math

import jax
import jax.numpy as jnp
import numpy as np
from jax import lax
from jax.experimental import pallas as pl
from jax.experimental.pallas import tpu as pltpu
from jax.experimental.pallas import tpu_sc as plsc

D, H, Wd = 48, 48, 48
BATCH = 48
K = 27
CH = 128
GRP = 5


def _sc_gather(table, nkeys, feats_pad, n_pad, c_in):
    info = plsc.get_sparse_core_info()
    nc, ns = info.num_cores, info.num_subcores
    nw = nc * ns
    rows_per_w = n_pad // nw
    gr = GRP * CH
    groups = rows_per_w // gr

    mesh = plsc.VectorSubcoreMesh(core_axis_name="c", subcore_axis_name="s")

    @functools.partial(
        pl.kernel,
        mesh=mesh,
        out_type=jax.ShapeDtypeStruct((n_pad, K, c_in), jnp.float32),
        scratch_types=[
            pltpu.VMEM((rows_per_w,), jnp.int32),
            pltpu.VMEM((gr,), jnp.int32),
            pltpu.VMEM((gr, 1, c_in), jnp.float32),
            pltpu.SemaphoreType.DMA,
            pltpu.SemaphoreType.DMA,
        ],
    )
    def body(table_hbm, nkeys_hbm, feat_hbm, out_hbm, nkey_v, src_v, rows_v, s1, s2):
        wid = lax.axis_index("s") * nc + lax.axis_index("c")
        base = wid * rows_per_w

        def k_body(k, carry):
            pltpu.async_copy(
                nkeys_hbm.at[pl.ds(k * n_pad + base, rows_per_w)], nkey_v, s1
            ).wait()

            def g_body(g, carry2):
                g0 = g * gr
                hs = [
                    pltpu.async_copy(
                        table_hbm.at[nkey_v.at[pl.ds(g0 + c * CH, CH)]],
                        src_v.at[pl.ds(c * CH, CH)],
                        s1,
                    )
                    for c in range(GRP)
                ]
                for h in hs:
                    h.wait()
                hs = [
                    pltpu.async_copy(
                        feat_hbm.at[src_v.at[pl.ds(c * CH, CH)]],
                        rows_v.at[pl.ds(c * CH, CH)],
                        s2,
                    )
                    for c in range(GRP)
                ]
                for h in hs:
                    h.wait()
                pltpu.sync_copy(
                    rows_v, out_hbm.at[pl.ds(base + g0, gr), pl.ds(k, 1)]
                )
                return carry2

            return lax.fori_loop(0, groups, g_body, carry)

        lax.fori_loop(0, K, k_body, 0)

    return body(table, nkeys, feats_pad)


def _tc_matmul(gathered2d, w_stack, n_pad):
    kc, c_out = w_stack.shape
    bn = 512

    def mm(g_ref, w_ref, o_ref):
        o_ref[...] = jnp.dot(
            g_ref[...], w_ref[...], preferred_element_type=jnp.float32
        )

    return pl.pallas_call(
        mm,
        grid=(n_pad // bn,),
        in_specs=[
            pl.BlockSpec((bn, kc), lambda i: (i, 0)),
            pl.BlockSpec((kc, c_out), lambda i: (0, 0)),
        ],
        out_specs=pl.BlockSpec((bn, c_out), lambda i: (i, 0)),
        out_shape=jax.ShapeDtypeStruct((n_pad, c_out), jnp.float32),
    )(gathered2d, w_stack)


def kernel(features, coors, batch_size, W):
    n, c_in = features.shape
    c_out = W.shape[-1]
    m = BATCH * D * H * Wd

    coors = coors.astype(jnp.int32)
    bb, zz, yy, xx = coors[:, 0], coors[:, 1], coors[:, 2], coors[:, 3]
    key = ((bb * D + zz) * H + yy) * Wd + xx

    table = (
        jnp.full((m + 8,), n, jnp.int32)
        .at[key]
        .min(jnp.arange(n, dtype=jnp.int32))
    )

    offs = np.array(
        [(dz, dy, dx) for dz in (-1, 0, 1) for dy in (-1, 0, 1) for dx in (-1, 0, 1)],
        np.int32,
    )
    delta = jnp.asarray(offs[:, 0] * (H * Wd) + offs[:, 1] * Wd + offs[:, 2])
    dz, dy, dx = (jnp.asarray(offs[:, i])[:, None] for i in range(3))
    valid = (
        (zz[None, :] + dz >= 0) & (zz[None, :] + dz < D)
        & (yy[None, :] + dy >= 0) & (yy[None, :] + dy < H)
        & (xx[None, :] + dx >= 0) & (xx[None, :] + dx < Wd)
    )
    nk = jnp.where(valid, key[None, :] + delta[:, None], m)

    nw = 32
    n_pad = math.ceil(n / (nw * CH * GRP)) * (nw * CH * GRP)
    nkeys = jnp.full((K, n_pad), m, jnp.int32).at[:, :n].set(nk).reshape(-1)
    feats_pad = jnp.concatenate(
        [features, jnp.zeros((8, c_in), features.dtype)], axis=0
    ).reshape(n + 8, 1, c_in)

    gathered = _sc_gather(table, nkeys, feats_pad, n_pad, c_in)
    out_pad = _tc_matmul(
        gathered.reshape(n_pad, K * c_in), W.reshape(K * c_in, c_out), n_pad
    )
    return out_pad[:n]

# --- scband reference (transcript-rebuilt; emitter-appended) ---
"""Pipeline reference for scband-example-net-18760417149163 (READ-ONLY COPY).

The authoritative reference and input builder live on the scoring server;
editing this copy changes nothing except your own understanding.
"""

import jax, jax.numpy as jnp
import numpy as np

D, H, Wd = 48, 48, 48
N = 200000
C_IN, C_OUT = 32, 64
K = 27  # 3x3x3 kernel offsets


def setup_inputs(seed: int = 0) -> dict:
    key = jax.random.key(seed)
    k1, k2, k3 = jax.random.split(key, 3)
    features = jax.random.normal(k1, (N, C_IN), dtype=jnp.float32)
    # coors: [batch, z, y, x]; batch_size=48 so randint in [0,48) is valid for every column
    coors = jax.random.randint(k2, (N, 4), 0, 48, dtype=jnp.int32)
    W = jax.random.normal(k3, (K, C_IN, C_OUT), dtype=jnp.float32) * 0.05
    return {"features": features, "coors": coors, "batch_size": 48, "W": W}


def reference(features, coors, batch_size, W):
    # Faithful submanifold sparse conv 3d (spconv.SubMConv3d(32, 64, 3), bias=False):
    # output defined only at the input active sites; for each active voxel, gather
    # features of active neighbors within the 3x3x3 window via a coordinate hash
    # (sorted-key searchsorted lookup) and apply the per-offset weight matrix.
    coors = coors.astype(jnp.int32)
    b, z, y, x = coors[:, 0], coors[:, 1], coors[:, 2], coors[:, 3]

    def key_of(bb, zz, yy, xx):
        return ((bb.astype(jnp.int64) * D + zz) * H + yy) * Wd + xx

    keys = key_of(b, z, y, x)
    order = jnp.argsort(keys)
    skeys = keys[order]
    n = features.shape[0]
    out = jnp.zeros((n, W.shape[-1]), dtype=features.dtype)
    kidx = 0
    for dz in (-1, 0, 1):
        for dy in (-1, 0, 1):
            for dx in (-1, 0, 1):
                nz, ny, nx = z + dz, y + dy, x + dx
                valid = (nz >= 0) & (nz < D) & (ny >= 0) & (ny < H) & (nx >= 0) & (nx < Wd)
                nkey = key_of(b, jnp.clip(nz, 0, D - 1), jnp.clip(ny, 0, H - 1), jnp.clip(nx, 0, Wd - 1))
                pos = jnp.clip(jnp.searchsorted(skeys, nkey), 0, n - 1)
                found = valid & (skeys[pos] == nkey)
                src = order[pos]
                gathered = jnp.where(found[:, None], features[src], 0.0)
                out = out + gathered @ W[kidx]
                kidx += 1
    return out

if __name__ == "__main__":
    import jax
    _d = setup_inputs()
    print(jax.jit(kernel)(*tuple(_d.values())))

</pallas_src>

<mosaic_0001>
#map = affine_map<(d0, d1) -> (0)>
#map1 = affine_map<(d0, d1) -> (0, 0, 0)>
module attributes {stable_mosaic.version = 14 : i64} {
  func.func @body(%arg0: i32, %arg1: i32, %arg2: memref<5308424xi32, #tpu.memory_space<hbm>>, %arg3: memref<5529600xi32, #tpu.memory_space<hbm>>, %arg4: memref<200008x1x32xf32, #tpu.memory_space<hbm>>, %arg5: memref<204800x27x32xf32, #tpu.memory_space<hbm>>, %arg6: memref<6400xi32, #tpu.memory_space<vmem>>, %arg7: memref<640xi32, #tpu.memory_space<vmem>>, %arg8: memref<640x1x32xf32, #tpu.memory_space<vmem>>, %arg9: memref<!tpu.dma_semaphore, #tpu.memory_space<semaphore_mem>>, %arg10: memref<!tpu.dma_semaphore, #tpu.memory_space<semaphore_mem>>) attributes {dimension_semantics = [#tpu.dimension_semantics<core_parallel>, #tpu.dimension_semantics<subcore_parallel>], iteration_bounds = array<i64: 2, 16>, scalar_prefetch = 0 : i64, scratch_operands = 5 : i64, tpu.core_type = #tpu.core_type<sc_vector_subcore>, window_params = [{transform_indices = #map}, {transform_indices = #map}, {transform_indices = #map1}, {transform_indices = #map1}]} {
    %mul3A = arith.constant 2 : i32
    %mul3A_0 = arith.muli %arg1, %mul3A : i32
    %add3A = arith.addi %mul3A_0, %arg0 : i32
    %mul3A_1 = arith.constant 6400 : i32
    %mul3A_2 = arith.muli %add3A, %mul3A_1 : i32
    %scan3A = arith.constant 0 : i32
    %scan3A_3 = arith.constant 0 : i32
    %scan3A_4 = arith.constant 27 : i32
    %scan3A_5 = arith.addi %scan3A_3, %scan3A_4 : i32
    %scan3A_6 = arith.constant 1 : i32
    scf.for %scan3A_8 = %scan3A_3 to %scan3A_5 step %scan3A_6  : i32 {
      %mul3A_9 = arith.constant 204800 : i32
      %mul3A_10 = arith.muli %scan3A_8, %mul3A_9 : i32
      %add3A_11 = arith.addi %mul3A_10, %mul3A_2 : i32
      %dma_start3A = tpu.memref_slice %arg3[%add3A_11] : memref<5529600xi32, #tpu.memory_space<hbm>> -> memref<6400xi32, #tpu.memory_space<hbm>>
      %dma_start3A_12 = tpu.memref_slice %arg3[%add3A_11] : memref<5529600xi32, #tpu.memory_space<hbm>> -> memref<6400xi32, #tpu.memory_space<hbm>>
      tpu.enqueue_dma source(%dma_start3A_12 : memref<6400xi32, #tpu.memory_space<hbm>>) target(%arg6 : memref<6400xi32, #tpu.memory_space<vmem>>) target_semaphore(%arg9 : memref<!tpu.dma_semaphore, #tpu.memory_space<semaphore_mem>>)
      %dma_wait3A = tpu.memref_slice %arg3[%add3A_11] : memref<5529600xi32, #tpu.memory_space<hbm>> -> memref<6400xi32, #tpu.memory_space<hbm>>
      %dma_wait3A_13 = tpu.memref_slice %arg3[%add3A_11] : memref<5529600xi32, #tpu.memory_space<hbm>> -> memref<6400xi32, #tpu.memory_space<hbm>>
      tpu.wait_dma2 semaphore(%arg9 : memref<!tpu.dma_semaphore, #tpu.memory_space<semaphore_mem>>) src(%dma_wait3A_13 : memref<6400xi32, #tpu.memory_space<hbm>>) dst(%arg6 : memref<6400xi32, #tpu.memory_space<vmem>>)
      %scan3A_14 = arith.constant 0 : i32
      %scan3A_15 = arith.constant 10 : i32
      %scan3A_16 = arith.addi %scan3A_14, %scan3A_15 : i32
      %scan3A_17 = arith.constant 1 : i32
      scf.for %scan3A_19 = %scan3A_14 to %scan3A_16 step %scan3A_17  : i32 {
        %mul3A_20 = arith.constant 640 : i32
        %mul3A_21 = arith.muli %scan3A_19, %mul3A_20 : i32
        %add3A_22 = arith.constant 0 : i32
        %add3A_23 = arith.addi %mul3A_21, %add3A_22 : i32
        %dma_start3A_24 = arith.constant 0 : i32
        %dma_start3A_25 = tpu.memref_slice %arg7[%dma_start3A_24] : memref<640xi32, #tpu.memory_space<vmem>> -> memref<128xi32, #tpu.memory_space<vmem>>
        %dma_start3A_26 = tpu.memref_slice %arg6[%add3A_23] : memref<6400xi32, #tpu.memory_space<vmem>> -> memref<128xi32, #tpu.memory_space<vmem>>
        %dma_start3A_27 = arith.constant 0 : i32
        %dma_start3A_28 = tpu.memref_slice %arg2[%dma_start3A_27] : memref<5308424xi32, #tpu.memory_space<hbm>> -> memref<5308424xi32, #tpu.memory_space<hbm>>
        tpu.enqueue_indirect_dma source(%dma_start3A_28 : memref<5308424xi32, #tpu.memory_space<hbm>>) target(%dma_start3A_25 : memref<128xi32, #tpu.memory_space<vmem>>) offsets(%dma_start3A_26 : memref<128xi32, #tpu.memory_space<vmem>>) semaphore(%arg9 : memref<!tpu.dma_semaphore, #tpu.memory_space<semaphore_mem>>)
        %add3A_29 = arith.constant 128 : i32
        %add3A_30 = arith.addi %mul3A_21, %add3A_29 : i32
        %dma_start3A_31 = arith.constant 128 : i32
        %dma_start3A_32 = tpu.memref_slice %arg7[%dma_start3A_31] : memref<640xi32, #tpu.memory_space<vmem>> -> memref<128xi32, #tpu.memory_space<vmem>>
        %dma_start3A_33 = tpu.memref_slice %arg6[%add3A_30] : memref<6400xi32, #tpu.memory_space<vmem>> -> memref<128xi32, #tpu.memory_space<vmem>>
        %dma_start3A_34 = arith.constant 0 : i32
        %dma_start3A_35 = tpu.memref_slice %arg2[%dma_start3A_34] : memref<5308424xi32, #tpu.memory_space<hbm>> -> memref<5308424xi32, #tpu.memory_space<hbm>>
        tpu.enqueue_indirect_dma source(%dma_start3A_35 : memref<5308424xi32, #tpu.memory_space<hbm>>) target(%dma_start3A_32 : memref<128xi32, #tpu.memory_space<vmem>>) offsets(%dma_start3A_33 : memref<128xi32, #tpu.memory_space<vmem>>) semaphore(%arg9 : memref<!tpu.dma_semaphore, #tpu.memory_space<semaphore_mem>>)
        %add3A_36 = arith.constant 256 : i32
        %add3A_37 = arith.addi %mul3A_21, %add3A_36 : i32
        %dma_start3A_38 = arith.constant 256 : i32
        %dma_start3A_39 = tpu.memref_slice %arg7[%dma_start3A_38] : memref<640xi32, #tpu.memory_space<vmem>> -> memref<128xi32, #tpu.memory_space<vmem>>
        %dma_start3A_40 = tpu.memref_slice %arg6[%add3A_37] : memref<6400xi32, #tpu.memory_space<vmem>> -> memref<128xi32, #tpu.memory_space<vmem>>
        %dma_start3A_41 = arith.constant 0 : i32
        %dma_start3A_42 = tpu.memref_slice %arg2[%dma_start3A_41] : memref<5308424xi32, #tpu.memory_space<hbm>> -> memref<5308424xi32, #tpu.memory_space<hbm>>
        tpu.enqueue_indirect_dma source(%dma_start3A_42 : memref<5308424xi32, #tpu.memory_space<hbm>>) target(%dma_start3A_39 : memref<128xi32, #tpu.memory_space<vmem>>) offsets(%dma_start3A_40 : memref<128xi32, #tpu.memory_space<vmem>>) semaphore(%arg9 : memref<!tpu.dma_semaphore, #tpu.memory_space<semaphore_mem>>)
        %add3A_43 = arith.constant 384 : i32
        %add3A_44 = arith.addi %mul3A_21, %add3A_43 : i32
        %dma_start3A_45 = arith.constant 384 : i32
        %dma_start3A_46 = tpu.memref_slice %arg7[%dma_start3A_45] : memref<640xi32, #tpu.memory_space<vmem>> -> memref<128xi32, #tpu.memory_space<vmem>>
        %dma_start3A_47 = tpu.memref_slice %arg6[%add3A_44] : memref<6400xi32, #tpu.memory_space<vmem>> -> memref<128xi32, #tpu.memory_space<vmem>>
        %dma_start3A_48 = arith.constant 0 : i32
        %dma_start3A_49 = tpu.memref_slice %arg2[%dma_start3A_48] : memref<5308424xi32, #tpu.memory_space<hbm>> -> memref<5308424xi32, #tpu.memory_space<hbm>>
        tpu.enqueue_indirect_dma source(%dma_start3A_49 : memref<5308424xi32, #tpu.memory_space<hbm>>) target(%dma_start3A_46 : memref<128xi32, #tpu.memory_space<vmem>>) offsets(%dma_start3A_47 : memref<128xi32, #tpu.memory_space<vmem>>) semaphore(%arg9 : memref<!tpu.dma_semaphore, #tpu.memory_space<semaphore_mem>>)
        %add3A_50 = arith.constant 512 : i32
        %add3A_51 = arith.addi %mul3A_21, %add3A_50 : i32
        %dma_start3A_52 = arith.constant 512 : i32
        %dma_start3A_53 = tpu.memref_slice %arg7[%dma_start3A_52] : memref<640xi32, #tpu.memory_space<vmem>> -> memref<128xi32, #tpu.memory_space<vmem>>
        %dma_start3A_54 = tpu.memref_slice %arg6[%add3A_51] : memref<6400xi32, #tpu.memory_space<vmem>> -> memref<128xi32, #tpu.memory_space<vmem>>
        %dma_start3A_55 = arith.constant 0 : i32
        %dma_start3A_56 = tpu.memref_slice %arg2[%dma_start3A_55] : memref<5308424xi32, #tpu.memory_space<hbm>> -> memref<5308424xi32, #tpu.memory_space<hbm>>
        tpu.enqueue_indirect_dma source(%dma_start3A_56 : memref<5308424xi32, #tpu.memory_space<hbm>>) target(%dma_start3A_53 : memref<128xi32, #tpu.memory_space<vmem>>) offsets(%dma_start3A_54 : memref<128xi32, #tpu.memory_space<vmem>>) semaphore(%arg9 : memref<!tpu.dma_semaphore, #tpu.memory_space<semaphore_mem>>)
        %dma_wait3A_57 = arith.constant 0 : i32
        %dma_wait3A_58 = tpu.memref_slice %arg7[%dma_wait3A_57] : memref<640xi32, #tpu.memory_space<vmem>> -> memref<128xi32, #tpu.memory_space<vmem>>
        %dma_wait3A_59 = tpu.memref_slice %arg6[%add3A_23] : memref<6400xi32, #tpu.memory_space<vmem>> -> memref<128xi32, #tpu.memory_space<vmem>>
        %dma_wait3A_60 = arith.constant 0 : i32
        %dma_wait3A_61 = tpu.memref_slice %arg2[%dma_wait3A_60] : memref<5308424xi32, #tpu.memory_space<hbm>> -> memref<5308424xi32, #tpu.memory_space<hbm>>
        tpu.wait_indirect_dma semaphore(%arg9 : memref<!tpu.dma_semaphore, #tpu.memory_space<semaphore_mem>>) src(%dma_wait3A_61 : memref<5308424xi32, #tpu.memory_space<hbm>>) dst(%dma_wait3A_58 : memref<128xi32, #tpu.memory_space<vmem>>)
        %dma_wait3A_62 = arith.constant 128 : i32
        %dma_wait3A_63 = tpu.memref_slice %arg7[%dma_wait3A_62] : memref<640xi32, #tpu.memory_space<vmem>> -> memref<128xi32, #tpu.memory_space<vmem>>
        %dma_wait3A_64 = tpu.memref_slice %arg6[%add3A_30] : memref<6400xi32, #tpu.memory_space<vmem>> -> memref<128xi32, #tpu.memory_space<vmem>>
        %dma_wait3A_65 = arith.constant 0 : i32
        %dma_wait3A_66 = tpu.memref_slice %arg2[%dma_wait3A_65] : memref<5308424xi32, #tpu.memory_space<hbm>> -> memref<5308424xi32, #tpu.memory_space<hbm>>
        tpu.wait_indirect_dma semaphore(%arg9 : memref<!tpu.dma_semaphore, #tpu.memory_space<semaphore_mem>>) src(%dma_wait3A_66 : memref<5308424xi32, #tpu.memory_space<hbm>>) dst(%dma_wait3A_63 : memref<128xi32, #tpu.memory_space<vmem>>)
        %dma_wait3A_67 = arith.constant 256 : i32
        %dma_wait3A_68 = tpu.memref_slice %arg7[%dma_wait3A_67] : memref<640xi32, #tpu.memory_space<vmem>> -> memref<128xi32, #tpu.memory_space<vmem>>
        %dma_wait3A_69 = tpu.memref_slice %arg6[%add3A_37] : memref<6400xi32, #tpu.memory_space<vmem>> -> memref<128xi32, #tpu.memory_space<vmem>>
        %dma_wait3A_70 = arith.constant 0 : i32
        %dma_wait3A_71 = tpu.memref_slice %arg2[%dma_wait3A_70] : memref<5308424xi32, #tpu.memory_space<hbm>> -> memref<5308424xi32, #tpu.memory_space<hbm>>
        tpu.wait_indirect_dma semaphore(%arg9 : memref<!tpu.dma_semaphore, #tpu.memory_space<semaphore_mem>>) src(%dma_wait3A_71 : memref<5308424xi32, #tpu.memory_space<hbm>>) dst(%dma_wait3A_68 : memref<128xi32, #tpu.memory_space<vmem>>)
        %dma_wait3A_72 = arith.constant 384 : i32
        %dma_wait3A_73 = tpu.memref_slice %arg7[%dma_wait3A_72] : memref<640xi32, #tpu.memory_space<vmem>> -> memref<128xi32, #tpu.memory_space<vmem>>
        %dma_wait3A_74 = tpu.memref_slice %arg6[%add3A_44] : memref<6400xi32, #tpu.memory_space<vmem>> -> memref<128xi32, #tpu.memory_space<vmem>>
        %dma_wait3A_75 = arith.constant 0 : i32
        %dma_wait3A_76 = tpu.memref_slice %arg2[%dma_wait3A_75] : memref<5308424xi32, #tpu.memory_space<hbm>> -> memref<5308424xi32, #tpu.memory_space<hbm>>
        tpu.wait_indirect_dma semaphore(%arg9 : memref<!tpu.dma_semaphore, #tpu.memory_space<semaphore_mem>>) src(%dma_wait3A_76 : memref<5308424xi32, #tpu.memory_space<hbm>>) dst(%dma_wait3A_73 : memref<128xi32, #tpu.memory_space<vmem>>)
        %dma_wait3A_77 = arith.constant 512 : i32
        %dma_wait3A_78 = tpu.memref_slice %arg7[%dma_wait3A_77] : memref<640xi32, #tpu.memory_space<vmem>> -> memref<128xi32, #tpu.memory_space<vmem>>
        %dma_wait3A_79 = tpu.memref_slice %arg6[%add3A_51] : memref<6400xi32, #tpu.memory_space<vmem>> -> memref<128xi32, #tpu.memory_space<vmem>>
        %dma_wait3A_80 = arith.constant 0 : i32
        %dma_wait3A_81 = tpu.memref_slice %arg2[%dma_wait3A_80] : memref<5308424xi32, #tpu.memory_space<hbm>> -> memref<5308424xi32, #tpu.memory_space<hbm>>
        tpu.wait_indirect_dma semaphore(%arg9 : memref<!tpu.dma_semaphore, #tpu.memory_space<semaphore_mem>>) src(%dma_wait3A_81 : memref<5308424xi32, #tpu.memory_space<hbm>>) dst(%dma_wait3A_78 : memref<128xi32, #tpu.memory_space<vmem>>)
        %dma_start3A_82 = arith.constant 0 : i32
        %dma_start3A_83 = arith.constant 0 : i32
        %dma_start3A_84 = arith.constant 0 : i32
        %dma_start3A_85 = tpu.memref_slice %arg8[%dma_start3A_82, %dma_start3A_83, %dma_start3A_84] : memref<640x1x32xf32, #tpu.memory_space<vmem>> -> memref<128x1x32xf32, #tpu.memory_space<vmem>>
        %dma_start3A_86 = arith.constant 0 : i32
        %dma_start3A_87 = tpu.memref_slice %arg7[%dma_start3A_86] : memref<640xi32, #tpu.memory_space<vmem>> -> memref<128xi32, #tpu.memory_space<vmem>>
        %dma_start3A_88 = arith.constant 0 : i32
        %dma_start3A_89 = arith.constant 0 : i32
        %dma_start3A_90 = arith.constant 0 : i32
        %dma_start3A_91 = tpu.memref_slice %arg4[%dma_start3A_88, %dma_start3A_89, %dma_start3A_90] : memref<200008x1x32xf32, #tpu.memory_space<hbm>> -> memref<200008x1x32xf32, #tpu.memory_space<hbm>>
        tpu.enqueue_indirect_dma source(%dma_start3A_91 : memref<200008x1x32xf32, #tpu.memory_space<hbm>>) target(%dma_start3A_85 : memref<128x1x32xf32, #tpu.memory_space<vmem>>) offsets(%dma_start3A_87 : memref<128xi32, #tpu.memory_space<vmem>>) semaphore(%arg10 : memref<!tpu.dma_semaphore, #tpu.memory_space<semaphore_mem>>)
        %dma_start3A_92 = arith.constant 128 : i32
        %dma_start3A_93 = arith.constant 0 : i32
        %dma_start3A_94 = arith.constant 0 : i32
        %dma_start3A_95 = tpu.memref_slice %arg8[%dma_start3A_92, %dma_start3A_93, %dma_start3A_94] : memref<640x1x32xf32, #tpu.memory_space<vmem>> -> memref<128x1x32xf32, #tpu.memory_space<vmem>>
        %dma_start3A_96 = arith.constant 128 : i32
        %dma_start3A_97 = tpu.memref_slice %arg7[%dma_start3A_96] : memref<640xi32, #tpu.memory_space<vmem>> -> memref<128xi32, #tpu.memory_space<vmem>>
        %dma_start3A_98 = arith.constant 0 : i32
        %dma_start3A_99 = arith.constant 0 : i32
        %dma_start3A_100 = arith.constant 0 : i32
        %dma_start3A_101 = tpu.memref_slice %arg4[%dma_start3A_98, %dma_start3A_99, %dma_start3A_100] : memref<200008x1x32xf32, #tpu.memory_space<hbm>> -> memref<200008x1x32xf32, #tpu.memory_space<hbm>>
        tpu.enqueue_indirect_dma source(%dma_start3A_101 : memref<200008x1x32xf32, #tpu.memory_space<hbm>>) target(%dma_start3A_95 : memref<128x1x32xf32, #tpu.memory_space<vmem>>) offsets(%dma_start3A_97 : memref<128xi32, #tpu.memory_space<vmem>>) semaphore(%arg10 : memref<!tpu.dma_semaphore, #tpu.memory_space<semaphore_mem>>)
        %dma_start3A_102 = arith.constant 256 : i32
        %dma_start3A_103 = arith.constant 0 : i32
        %dma_start3A_104 = arith.constant 0 : i32
        %dma_start3A_105 = tpu.memref_slice %arg8[%dma_start3A_102, %dma_start3A_103, %dma_start3A_104] : memref<640x1x32xf32, #tpu.memory_space<vmem>> -> memref<128x1x32xf32, #tpu.memory_space<vmem>>
        %dma_start3A_106 = arith.constant 256 : i32
        %dma_start3A_107 = tpu.memref_slice %arg7[%dma_start3A_106] : memref<640xi32, #tpu.memory_space<vmem>> -> memref<128xi32, #tpu.memory_space<vmem>>
        %dma_start3A_108 = arith.constant 0 : i32
        %dma_start3A_109 = arith.constant 0 : i32
        %dma_start3A_110 = arith.constant 0 : i32
        %dma_start3A_111 = tpu.memref_slice %arg4[%dma_start3A_108, %dma_start3A_109, %dma_start3A_110] : memref<200008x1x32xf32, #tpu.memory_space<hbm>> -> memref<200008x1x32xf32, #tpu.memory_space<hbm>>
        tpu.enqueue_indirect_dma source(%dma_start3A_111 : memref<200008x1x32xf32, #tpu.memory_space<hbm>>) target(%dma_start3A_105 : memref<128x1x32xf32, #tpu.memory_space<vmem>>) offsets(%dma_start3A_107 : memref<128xi32, #tpu.memory_space<vmem>>) semaphore(%arg10 : memref<!tpu.dma_semaphore, #tpu.memory_space<semaphore_mem>>)
        %dma_start3A_112 = arith.constant 384 : i32
        %dma_start3A_113 = arith.constant 0 : i32
        %dma_start3A_114 = arith.constant 0 : i32
        %dma_start3A_115 = tpu.memref_slice %arg8[%dma_start3A_112, %dma_start3A_113, %dma_start3A_114] : memref<640x1x32xf32, #tpu.memory_space<vmem>> -> memref<128x1x32xf32, #tpu.memory_space<vmem>>
        %dma_start3A_116 = arith.constant 384 : i32
        %dma_start3A_117 = tpu.memref_slice %arg7[%dma_start3A_116] : memref<640xi32, #tpu.memory_space<vmem>> -> memref<128xi32, #tpu.memory_space<vmem>>
        %dma_start3A_118 = arith.constant 0 : i32
        %dma_start3A_119 = arith.constant 0 : i32
        %dma_start3A_120 = arith.constant 0 : i32
        %dma_start3A_121 = tpu.memref_slice %arg4[%dma_start3A_118, %dma_start3A_119, %dma_start3A_120] : memref<200008x1x32xf32, #tpu.memory_space<hbm>> -> memref<200008x1x32xf32, #tpu.memory_space<hbm>>
        tpu.enqueue_indirect_dma source(%dma_start3A_121 : memref<200008x1x32xf32, #tpu.memory_space<hbm>>) target(%dma_start3A_115 : memref<128x1x32xf32, #tpu.memory_space<vmem>>) offsets(%dma_start3A_117 : memref<128xi32, #tpu.memory_space<vmem>>) semaphore(%arg10 : memref<!tpu.dma_semaphore, #tpu.memory_space<semaphore_mem>>)
        %dma_start3A_122 = arith.constant 512 : i32
        %dma_start3A_123 = arith.constant 0 : i32
        %dma_start3A_124 = arith.constant 0 : i32
        %dma_start3A_125 = tpu.memref_slice %arg8[%dma_start3A_122, %dma_start3A_123, %dma_start3A_124] : memref<640x1x32xf32, #tpu.memory_space<vmem>> -> memref<128x1x32xf32, #tpu.memory_space<vmem>>
        %dma_start3A_126 = arith.constant 512 : i32
        %dma_start3A_127 = tpu.memref_slice %arg7[%dma_start3A_126] : memref<640xi32, #tpu.memory_space<vmem>> -> memref<128xi32, #tpu.memory_space<vmem>>
        %dma_start3A_128 = arith.constant 0 : i32
        %dma_start3A_129 = arith.constant 0 : i32
        %dma_start3A_130 = arith.constant 0 : i32
        %dma_start3A_131 = tpu.memref_slice %arg4[%dma_start3A_128, %dma_start3A_129, %dma_start3A_130] : memref<200008x1x32xf32, #tpu.memory_space<hbm>> -> memref<200008x1x32xf32, #tpu.memory_space<hbm>>
        tpu.enqueue_indirect_dma source(%dma_start3A_131 : memref<200008x1x32xf32, #tpu.memory_space<hbm>>) target(%dma_start3A_125 : memref<128x1x32xf32, #tpu.memory_space<vmem>>) offsets(%dma_start3A_127 : memref<128xi32, #tpu.memory_space<vmem>>) semaphore(%arg10 : memref<!tpu.dma_semaphore, #tpu.memory_space<semaphore_mem>>)
        %dma_wait3A_132 = arith.constant 0 : i32
        %dma_wait3A_133 = arith.constant 0 : i32
        %dma_wait3A_134 = arith.constant 0 : i32
        %dma_wait3A_135 = tpu.memref_slice %arg8[%dma_wait3A_132, %dma_wait3A_133, %dma_wait3A_134] : memref<640x1x32xf32, #tpu.memory_space<vmem>> -> memref<128x1x32xf32, #tpu.memory_space<vmem>>
        %dma_wait3A_136 = arith.constant 0 : i32
        %dma_wait3A_137 = tpu.memref_slice %arg7[%dma_wait3A_136] : memref<640xi32, #tpu.memory_space<vmem>> -> memref<128xi32, #tpu.memory_space<vmem>>
        %dma_wait3A_138 = arith.constant 0 : i32
        %dma_wait3A_139 = arith.constant 0 : i32
        %dma_wait3A_140 = arith.constant 0 : i32
        %dma_wait3A_141 = tpu.memref_slice %arg4[%dma_wait3A_138, %dma_wait3A_139, %dma_wait3A_140] : memref<200008x1x32xf32, #tpu.memory_space<hbm>> -> memref<200008x1x32xf32, #tpu.memory_space<hbm>>
        tpu.wait_indirect_dma semaphore(%arg10 : memref<!tpu.dma_semaphore, #tpu.memory_space<semaphore_mem>>) src(%dma_wait3A_141 : memref<200008x1x32xf32, #tpu.memory_space<hbm>>) dst(%dma_wait3A_135 : memref<128x1x32xf32, #tpu.memory_space<vmem>>)
        %dma_wait3A_142 = arith.constant 128 : i32
        %dma_wait3A_143 = arith.constant 0 : i32
        %dma_wait3A_144 = arith.constant 0 : i32
        %dma_wait3A_145 = tpu.memref_slice %arg8[%dma_wait3A_142, %dma_wait3A_143, %dma_wait3A_144] : memref<640x1x32xf32, #tpu.memory_space<vmem>> -> memref<128x1x32xf32, #tpu.memory_space<vmem>>
        %dma_wait3A_146 = arith.constant 128 : i32
        %dma_wait3A_147 = tpu.memref_slice %arg7[%dma_wait3A_146] : memref<640xi32, #tpu.memory_space<vmem>> -> memref<128xi32, #tpu.memory_space<vmem>>
        %dma_wait3A_148 = arith.constant 0 : i32
        %dma_wait3A_149 = arith.constant 0 : i32
        %dma_wait3A_150 = arith.constant 0 : i32
        %dma_wait3A_151 = tpu.memref_slice %arg4[%dma_wait3A_148, %dma_wait3A_149, %dma_wait3A_150] : memref<200008x1x32xf32, #tpu.memory_space<hbm>> -> memref<200008x1x32xf32, #tpu.memory_space<hbm>>
        tpu.wait_indirect_dma semaphore(%arg10 : memref<!tpu.dma_semaphore, #tpu.memory_space<semaphore_mem>>) src(%dma_wait3A_151 : memref<200008x1x32xf32, #tpu.memory_space<hbm>>) dst(%dma_wait3A_145 : memref<128x1x32xf32, #tpu.memory_space<vmem>>)
        %dma_wait3A_152 = arith.constant 256 : i32
        %dma_wait3A_153 = arith.constant 0 : i32
        %dma_wait3A_154 = arith.constant 0 : i32
        %dma_wait3A_155 = tpu.memref_slice %arg8[%dma_wait3A_152, %dma_wait3A_153, %dma_wait3A_154] : memref<640x1x32xf32, #tpu.memory_space<vmem>> -> memref<128x1x32xf32, #tpu.memory_space<vmem>>
        %dma_wait3A_156 = arith.constant 256 : i32
        %dma_wait3A_157 = tpu.memref_slice %arg7[%dma_wait3A_156] : memref<640xi32, #tpu.memory_space<vmem>> -> memref<128xi32, #tpu.memory_space<vmem>>
        %dma_wait3A_158 = arith.constant 0 : i32
        %dma_wait3A_159 = arith.constant 0 : i32
        %dma_wait3A_160 = arith.constant 0 : i32
        %dma_wait3A_161 = tpu.memref_slice %arg4[%dma_wait3A_158, %dma_wait3A_159, %dma_wait3A_160] : memref<200008x1x32xf32, #tpu.memory_space<hbm>> -> memref<200008x1x32xf32, #tpu.memory_space<hbm>>
        tpu.wait_indirect_dma semaphore(%arg10 : memref<!tpu.dma_semaphore, #tpu.memory_space<semaphore_mem>>) src(%dma_wait3A_161 : memref<200008x1x32xf32, #tpu.memory_space<hbm>>) dst(%dma_wait3A_155 : memref<128x1x32xf32, #tpu.memory_space<vmem>>)
        %dma_wait3A_162 = arith.constant 384 : i32
        %dma_wait3A_163 = arith.constant 0 : i32
        %dma_wait3A_164 = arith.constant 0 : i32
        %dma_wait3A_165 = tpu.memref_slice %arg8[%dma_wait3A_162, %dma_wait3A_163, %dma_wait3A_164] : memref<640x1x32xf32, #tpu.memory_space<vmem>> -> memref<128x1x32xf32, #tpu.memory_space<vmem>>
        %dma_wait3A_166 = arith.constant 384 : i32
        %dma_wait3A_167 = tpu.memref_slice %arg7[%dma_wait3A_166] : memref<640xi32, #tpu.memory_space<vmem>> -> memref<128xi32, #tpu.memory_space<vmem>>
        %dma_wait3A_168 = arith.constant 0 : i32
        %dma_wait3A_169 = arith.constant 0 : i32
        %dma_wait3A_170 = arith.constant 0 : i32
        %dma_wait3A_171 = tpu.memref_slice %arg4[%dma_wait3A_168, %dma_wait3A_169, %dma_wait3A_170] : memref<200008x1x32xf32, #tpu.memory_space<hbm>> -> memref<200008x1x32xf32, #tpu.memory_space<hbm>>
        tpu.wait_indirect_dma semaphore(%arg10 : memref<!tpu.dma_semaphore, #tpu.memory_space<semaphore_mem>>) src(%dma_wait3A_171 : memref<200008x1x32xf32, #tpu.memory_space<hbm>>) dst(%dma_wait3A_165 : memref<128x1x32xf32, #tpu.memory_space<vmem>>)
        %dma_wait3A_172 = arith.constant 512 : i32
        %dma_wait3A_173 = arith.constant 0 : i32
        %dma_wait3A_174 = arith.constant 0 : i32
        %dma_wait3A_175 = tpu.memref_slice %arg8[%dma_wait3A_172, %dma_wait3A_173, %dma_wait3A_174] : memref<640x1x32xf32, #tpu.memory_space<vmem>> -> memref<128x1x32xf32, #tpu.memory_space<vmem>>
        %dma_wait3A_176 = arith.constant 512 : i32
        %dma_wait3A_177 = tpu.memref_slice %arg7[%dma_wait3A_176] : memref<640xi32, #tpu.memory_space<vmem>> -> memref<128xi32, #tpu.memory_space<vmem>>
        %dma_wait3A_178 = arith.constant 0 : i32
        %dma_wait3A_179 = arith.constant 0 : i32
        %dma_wait3A_180 = arith.constant 0 : i32
        %dma_wait3A_181 = tpu.memref_slice %arg4[%dma_wait3A_178, %dma_wait3A_179, %dma_wait3A_180] : memref<200008x1x32xf32, #tpu.memory_space<hbm>> -> memref<200008x1x32xf32, #tpu.memory_space<hbm>>
        tpu.wait_indirect_dma semaphore(%arg10 : memref<!tpu.dma_semaphore, #tpu.memory_space<semaphore_mem>>) src(%dma_wait3A_181 : memref<200008x1x32xf32, #tpu.memory_space<hbm>>) dst(%dma_wait3A_175 : memref<128x1x32xf32, #tpu.memory_space<vmem>>)
        %add3A_182 = arith.addi %mul3A_2, %mul3A_21 : i32
        "tpu.region"() ({
          %run_scoped3A = tpu.sem_alloc : memref<!tpu.dma_semaphore, #tpu.memory_space<semaphore_mem>>
          %dma_start3A_183 = arith.constant 0 : i32
          %dma_start3A_184 = tpu.memref_slice %arg5[%add3A_182, %scan3A_8, %dma_start3A_183] : memref<204800x27x32xf32, #tpu.memory_space<hbm>> -> memref<640x1x32xf32, #tpu.memory_space<hbm>>
          %dma_start3A_185 = arith.constant 0 : i32
          %dma_start3A_186 = tpu.memref_slice %arg5[%add3A_182, %scan3A_8, %dma_start3A_185] : memref<204800x27x32xf32, #tpu.memory_space<hbm>> -> memref<640x1x32xf32, #tpu.memory_space<hbm>>
          tpu.enqueue_dma source(%arg8 : memref<640x1x32xf32, #tpu.memory_space<vmem>>) target(%dma_start3A_186 : memref<640x1x32xf32, #tpu.memory_space<hbm>>) target_semaphore(%run_scoped3A : memref<!tpu.dma_semaphore, #tpu.memory_space<semaphore_mem>>)
          %dma_wait3A_187 = arith.constant 0 : i32
          %dma_wait3A_188 = tpu.memref_slice %arg5[%add3A_182, %scan3A_8, %dma_wait3A_187] : memref<204800x27x32xf32, #tpu.memory_space<hbm>> -> memref<640x1x32xf32, #tpu.memory_space<hbm>>
          %dma_wait3A_189 = arith.constant 0 : i32
          %dma_wait3A_190 = tpu.memref_slice %arg5[%add3A_182, %scan3A_8, %dma_wait3A_189] : memref<204800x27x32xf32, #tpu.memory_space<hbm>> -> memref<640x1x32xf32, #tpu.memory_space<hbm>>
          tpu.wait_dma2 semaphore(%run_scoped3A : memref<!tpu.dma_semaphore, #tpu.memory_space<semaphore_mem>>) src(%arg8 : memref<640x1x32xf32, #tpu.memory_space<vmem>>) dst(%dma_wait3A_190 : memref<640x1x32xf32, #tpu.memory_space<hbm>>)
          tpu.yield
        }) : () -> ()
      }
      %scan3A_18 = arith.constant 10 : i32
    }
    %scan3A_7 = arith.constant 27 : i32
    return
  }
}

module attributes {stable_mosaic.version = 14 : i64} {
  func.func @mm(%arg0: i32, %arg1: memref<512x864xf32, #tpu.memory_space<vmem>>, %arg2: memref<864x64xf32, #tpu.memory_space<vmem>>, %arg3: memref<512x64xf32, #tpu.memory_space<vmem>>) attributes {dimension_semantics = [#tpu.dimension_semantics<arbitrary>], iteration_bounds = array<i64: 400>, scalar_prefetch = 0 : i64, scratch_operands = 0 : i64, tpu.core_type = #tpu.core_type<tc>, window_params = [{transform_indices = @transform_0, window_bounds = array<i64: 512, 864>}, {pipeline_mode = #tpu.pipeline_mode<synchronous>, transform_indices = @transform_1, window_bounds = array<i64: 864, 64>}, {transform_indices = @transform_2, window_bounds = array<i64: 512, 64>}]} {
    %get3A = arith.constant 0 : index
    %get3A_0 = arith.constant 0 : index
    %get3A_1 = vector.load %arg1[%get3A, %get3A_0] : memref<512x864xf32, #tpu.memory_space<vmem>>, vector<512x864xf32>
    %get3A_2 = arith.constant 0 : index
    %get3A_3 = arith.constant 0 : index
    %get3A_4 = vector.load %arg2[%get3A_2, %get3A_3] : memref<864x64xf32, #tpu.memory_space<vmem>>, vector<864x64xf32>
    %dot_general3A = arith.constant dense<0.000000e+00> : vector<512x64xf32>
    %dot_general3A_5 = tpu.matmul %get3A_1, %get3A_4, %dot_general3A {dimension_numbers = #tpu.dot_dimension_numbers<[1], [0], [0], [1], [0, 0, 1, 1], [], []>, transpose_lhs_hint = false} : vector<512x864xf32>, vector<864x64xf32>, vector<512x64xf32> -> vector<512x64xf32>
    %swap3A = arith.constant 0 : index
    %swap3A_6 = arith.constant 0 : index
    %swap3A_7 = vector.load %arg3[%swap3A, %swap3A_6] : memref<512x64xf32, #tpu.memory_space<vmem>>, vector<512x64xf32>
    tpu.vector_store %arg3[%swap3A, %swap3A_6], %dot_general3A_5 {strides = array<i32>} : memref<512x64xf32, #tpu.memory_space<vmem>>, vector<512x64xf32>,
    return
  }
  func.func @transform_0(%arg0: i32) -> (i32, i32) {
    %c0_i32 = arith.constant 0 : i32
    %c0_i32_0 = arith.constant 0 : i32
    return %arg0, %c0_i32 : i32, i32
  }
  func.func @transform_1(%arg0: i32) -> (i32, i32) {
    %c0_i32 = arith.constant 0 : i32
    %c0_i32_0 = arith.constant 0 : i32
    %c0_i32_1 = arith.constant 0 : i32
    return %c0_i32, %c0_i32_0 : i32, i32
  }
  func.func @transform_2(%arg0: i32) -> (i32, i32) {
    %c0_i32 = arith.constant 0 : i32
    %c0_i32_0 = arith.constant 0 : i32
    return %arg0, %c0_i32 : i32, i32
  }
}

</mosaic_0001>

<sc_bundles>
// kernel: kernel.4.cloned.1.call-start
scs
__scs_entry_jumppad:
0x0: {  	(pc) =	sbr.rel $0x88, $3  }
0x1: {  	(tag) =	ssettag $0x0;
	lr =	simm.s32 $0x1  }
0x2: {  	[smem:$0x3F9E] =	sst lr;
	_ =	strace $0xD0000000  }
0x3: {  	_ = 	snop  }
0x4: {  	_ = 	snop  }
0x5: {  	_ = 	snop  }
0x6: {  	_ = 	snop  }
0x7: {  	_ = 	snop  }
__scs_overlays_trampoline_lowered:
0x8: {  	[smem:$0x3FAD] =	sst s0  }
0x9: {  	[smem:$0x3FAE] =	sst s1  }
0xa: {  	[smem:$0x3FAF] =	sst s2  }
0xb: {  	[smem:$0x3FB0] =	sst s3  }
0xc: {  	[smem:$0x3FB1] =	sst s4  }
0xd: {  	[smem:$0x3FB2] =	sst s5  }
0xe: {  	[smem:$0x3FB3] =	sst s6  }
0xf: {  	[smem:$0x3FB4] =	sst s7  }
0x10: {  	[smem:$0x3FB5] =	sst s8  }
0x11: {  	[smem:$0x3FB6] =	sst s9;
	s0 =	simm.s32 @!p0 $0x0  }
0x12: {  	s1 =	sld [smem:$0x3F9C];
	s0 =	simm.s32 @p0 $0x1  }
0x13: {  	[smem:$0x3FB7] =	sst s0;
	s0 =	simm.s32 @!p1 $0x0  }
0x14: {  	s2 =	sld [smem:$0x3F9B];
	s0 =	simm.s32 @p1 $0x1  }
0x15: {  	[smem:$0x3FB8] =	sst s0;
	s0 =	simm.s32 @!p2 $0x0  }
0x16: {  	s3 =	sld [smem:$0x3FDB];
	s0 =	simm.s32 @p2 $0x1  }
0x17: {  	s4 =	simm.s32 $0x1BF5;
	[smem:$0x3FBA] =	sst s0  }
0x18: {  	s0 =	sld [smem:$0x3F9D];
	_ =	swait.ge [sflag:s4], $0x0  }
0x19: {  	s7 =	sld [smem:$0x3F9E]  }
0x1a: {  	s8 =	sadd.s32 $0xFFFFE003, lr  }
0x1b: {  	s9 =	sadd.s32 $0xFFFFFEF7, lr;
	s5 =	simm.s32 $0xFFFFFFFF;
	p2 =	slt.u32 s8, $0xFFFFF086  }
0x1c: {  	p1 =	slt.u32 s9, $0xF7A;
	s5 =	simm.s32 @!p2 $0x0  }
0x1d: {  	s5 =	simm.s32 @p1 $0x1;
	p0 =	seq.s32 s7, s2  }
0x1e: {  	s7 =	smul.u32 @!p0 $0xF7A, s2;
	p2 =	seq.s32 @!p0 s5, $0x0  }
0x1f: {  	s9 =	smul.u32 $0xF7A, s1;
	s8 =	simm.s32 @!p0 $0x1BF5;
	p2 =	por !p2, p0  }
0x20: {  	[sflag:s8] =	ssyncset.s32 @!p0 $0xFFFFF086;
	s6 =	sadd.s32 @!p0 s3, s7;
	s7 =	simm.s32 @!p0 $0x108  }
0x21: {  	s3 =	sadd.s32 s3, s9;
	s6 =	sadd.s32 @!p0 $0x88, s6;
	s7 =	simm.s32 @p2 $0x1082  }
0x22: {  	[simem:s7], [sflag:s8] =	dma.local @!p0 [hbm:s6], $0xF7A  }
0x23: {  	s9 =	sor.u32 $0xD0000000, s2;
	s6 =	simm.s32 $0x108;
	_ =	swait.ge @!p0 [sflag:s8], $0x0  }
0x24: {  	s3 =	sadd.s32 $0x88, s3;
	s6 =	simm.s32 @!p1 $0x1082;
	[sflag:s4] =	ssyncset.s32 $0xFFFFF086  }
0x25: {  	[simem:s6], [sflag:s4] =	dma.local [hbm:s3], $0xF7A  }
0x26: {  	[smem:$0x3F9E] =	sst s1;
	(tag) =	ssettag s2;
	_ =	strace s9  }
0x27: {  	s1 =	sld [smem:$0x3FAE]  }
0x28: {  	s2 =	sld [smem:$0x3FAF]  }
0x29: {  	s4 =	sld [smem:$0x3FB1]  }
0x2a: {  	p0 =	seq.s32 s5, $0x0;
	s5 =	sld [smem:$0x3FB2]  }
0x2b: {  	s6 =	sld [smem:$0x3FB3]  }
0x2c: {  	s7 =	sld [smem:$0x3FB4]  }
0x2d: {  	s3 =	simm.s32 $0x108;
	s8 =	sld [smem:$0x3FB5]  }
0x2e: {  	s3 =	simm.s32 @!p0 $0x1082;
	s9 =	sld [smem:$0x3FB6]  }
0x2f: {  	lr =	sadd.s32 s0, s3;
	s0 =	sld [smem:$0x3FAD]  }
0x30: {  	s3 =	sld [smem:$0x3FB0]  }
0x31: {  	[smem:$0x3FB9] =	sst s10  }
0x32: {  	s10 =	sld [smem:$0x3FB7];
	_ =	sdelay $0x3  }
0x33: {  	p0 =	seq.s32 s10, $0x1;
	s10 =	sld [smem:$0x3FB9];
	_ =	sdelay $0x3  }
0x34: {  	[smem:$0x3FB9] =	sst s10  }
0x35: {  	s10 =	sld [smem:$0x3FB8];
	_ =	sdelay $0x3  }
0x36: {  	p1 =	seq.s32 s10, $0x1;
	s10 =	sld [smem:$0x3FB9];
	_ =	sdelay $0x3  }
0x37: {  	[smem:$0x3FB9] =	sst s10  }
0x38: {  	s10 =	sld [smem:$0x3FBA]  }
0x39: {  	_ = 	snop;
	(pc) =	sbr.ind lr, $3  }
0x3a: {  	_ = 	snop  }
0x3b: {  	_ = 	snop  }
0x3c: {  	p2 =	seq.s32 s10, $0x1;
	s10 =	sld [smem:$0x3FB9]  }
0x3d: {  	_ =	shalt  }
0x3e: {  	_ =	shalt  }
0x3f: {  	_ =	shalt  }
0x40: {  	_ =	shalt  }
0x41: {  	_ =	shalt  }
0x42: {  	_ =	shalt  }
0x43: {  	_ =	shalt  }
0x44: {  	_ =	shalt  }
0x45: {  	_ =	shalt  }
0x46: {  	_ =	shalt  }
0x47: {  	_ =	shalt  }
0x48: {  	_ =	shalt  }
0x49: {  	_ =	shalt  }
0x4a: {  	_ =	shalt  }
0x4b: {  	_ =	shalt  }
0x4c: {  	_ =	shalt  }
0x4d: {  	_ =	shalt  }
0x4e: {  	_ =	shalt  }
0x4f: {  	_ =	shalt  }
0x50: {  	_ =	shalt  }
0x51: {  	_ =	shalt  }
0x52: {  	_ =	shalt  }
0x53: {  	_ =	shalt  }
0x54: {  	_ =	shalt  }
0x55: {  	_ =	shalt  }
0x56: {  	_ =	shalt  }
0x57: {  	_ =	shalt  }
0x58: {  	_ =	shalt  }
0x59: {  	_ =	shalt  }
0x5a: {  	_ =	shalt  }
0x5b: {  	_ =	shalt  }
0x5c: {  	_ =	shalt  }
0x5d: {  	_ =	shalt  }
0x5e: {  	_ =	shalt  }
0x5f: {  	_ =	shalt  }
0x60: {  	_ =	shalt  }
0x61: {  	_ =	shalt  }
0x62: {  	_ =	shalt  }
0x63: {  	_ =	shalt  }
0x64: {  	_ =	shalt  }
0x65: {  	_ =	shalt  }
0x66: {  	_ =	shalt  }
0x67: {  	_ =	shalt  }
0x68: {  	_ =	shalt  }
0x69: {  	_ =	shalt  }
0x6a: {  	_ =	shalt  }
0x6b: {  	_ =	shalt  }
0x6c: {  	_ =	shalt  }
0x6d: {  	_ =	shalt  }
0x6e: {  	_ =	shalt  }
0x6f: {  	_ =	shalt  }
0x70: {  	_ =	shalt  }
0x71: {  	_ =	shalt  }
0x72: {  	_ =	shalt  }
0x73: {  	_ =	shalt  }
0x74: {  	_ =	shalt  }
0x75: {  	_ =	shalt  }
0x76: {  	_ =	shalt  }
0x77: {  	_ =	shalt  }
0x78: {  	_ =	shalt  }
0x79: {  	_ =	shalt  }
0x7a: {  	_ =	shalt  }
0x7b: {  	_ =	shalt  }
0x7c: {  	_ =	shalt  }
0x7d: {  	_ =	shalt  }
0x7e: {  	_ =	shalt  }
0x7f: {  	_ =	shalt  }
0x80: {  	_ =	shalt  }
0x81: {  	_ =	shalt  }
0x82: {  	_ =	shalt  }
0x83: {  	_ =	shalt  }
0x84: {  	_ =	shalt  }
0x85: {  	_ =	shalt  }
0x86: {  	_ =	shalt  }
0x87: {  	_ =	shalt  }
.Lfunc_end0:
.L_simem_size_0:
called_computation.2_lowered:
.L_overlay_start_0:
0x88: {  	s2 =	sld [smem:$0x3FD9]  }
0x89: {  	s3 =	sld [smem:$0x3FFE];
	_ =	sdelay $0x1  }
0x8a: {  	s1 =	srdreg.scid  }
0x8b: {  	s0 =	sand.u32 $0x1, s1  }
0x8c: {  	s17 =	sshll.u32 s0, $0xA;
	s2 =	sadd.s32 s3, s2  }
0x8d: {  	s2 =	sadd.s32 s2, s17  }
0x8e: {  	[smem:$0x3FC5] =	sst s2  }
0x8f: {  	_ = 	snop  }
0x90: {  	s2 =	sld [smem:$0x3FD0];
	(tm) =	ssettm $0x1  }
0x91: {  	s18 =	sld [smem:$0x3FFB];
	_ =	sdelay $0x3  }
0x92: {  	_ =	strace s18  }
0x93: {  	s3 =	sld [smem:$0x3FFC];
	_ =	sdelay $0x3  }
0x94: {  	_ =	strace s3  }
0x95: {  	s3 =	sld [smem:$0x3FFD];
	_ =	sdelay $0x3  }
0x96: {  	_ =	strace s3  }
0x97: {  	_ =	strace $0x8FFFFFFF  }
0x98: {  	s19 =	sld [smem:$0x3FDB];
	_ =	sdelay $0x1  }
0x99: {  	s4 =	simm.s32 $_scs_section_size  }
0x9a: {  	s5 =	simm.s32 $_size__tile_overlayer_lowered;
	s6 =	simm.s32 $_tile_overlayer_lowered  }
0x9b: {  	s22 =	simm.s32 $0x1BFF;
	s21 =	sshll.u32 s6, $0x1;
	s3 =	sadd.s32 s4, s19  }
0x9c: {  	s7 =	simm.s32 $0x0;
	s20 =	sshll.u32 s5, $0x1;
	s5 =	sadd.s32 s21, s3  }
0x9d: {  	[timem:s7], [sflag:s22] =	dma.local [hbm:s5], s20  }
0x9e: {  	_ =	swait.ge [sflag:s22], s20  }
0x9f: {  	s4 =	ssub.s32 $0x0, s20;
	[sflag:s22] =	ssyncset.done $0x0  }
0xa0: {  	[sflag:s22] =	ssyncadd.s32 s4;
	_ =	sdelay $0x1  }
0xa1: {  	s23 =	simm.s32 $0x1B8B  }
0xa2: {  	_ =	swait.ge [sflag:s23], $0x1  }
0xa3: {  	[sflag:s23] =	ssyncset.done $0x0  }
0xa4: {  	s25 =	simm.s32 $0x1B8E;
	s24 =	sld [smem:$0x3FFE];
	[sflag:s23] =	ssyncadd.s32 $0xFFFFFFFF  }
0xa5: {  	s26 =	simm.s32 $execute0_lowered;
	[smem:$0x3FD2] =	sst s25  }
0xa6: {  	s5 =	sshll.u32 s26, $0x1;
	_ =	strace $0x80000049;
	[dreg:$0x1] =	wrdreg $0xFFFFFFFF  }
0xa7: {  	s28 =	simm.s32 $_size_execute0_lowered;
	s3 =	sadd.s32 s3, s5;
	[dreg:$0x0] =	wrdreg $0x0  }
0xa8: {  	s5 =	sshll.u32 s28, $0x1;
	[dreg:$0x2] =	wrdreg s3  }
0xa9: {  	[dreg:$0x3] =	wrdreg s5  }
0xaa: {  	[dreg:$0x4] =	wrdreg $0xC0  }
0xab: {  	_ =	task [dreg:s7], $0x5FFFF  }
0xac: {  	[dreg:$0x1] =	wrdreg $0xFFFFFFFF  }
0xad: {  	[dreg:$0x0] =	wrdreg $0x60  }
0xae: {  	[dreg:$0x2] =	wrdreg s24  }
0xaf: {  	[dreg:$0x3] =	wrdreg s2  }
0xb0: {  	[dreg:$0x4] =	wrdreg $0x9  }
0xb1: {  	_ =	task.clear_ibuf [dreg:s7], $0x5FFFF;
	_ =	strace $0x90000049  }
0xb2: {  	s29 =	simm.s32 $0x9;
	_ =	strace $0x8000004B  }
0xb3: {  	_ =	swait.ge [sflag:s29], $0x1  }
0xb4: {  	[sflag:s29] =	ssyncadd.s32 $0xFFFFFFFF  }
0xb5: {  	_ =	strace $0x9000004B  }
0xb6: {  	_ =	sfence  }
0xb7: {  	s30 =	sld [smem:$0x0];
	_ =	sdelay $0x2  }
0xb8: {  	s31 =	sshll.u32 s1, $0xD;
	s1 =	sshrl.u32 s1, $0x2  }
0xb9: {  	s3 =	sand.u32 $0x4000, s31;
	s1 =	sadd.s32 s1, s30  }
0xba: {  	s0 =	sor.u32 s3, s0;
	s1 =	sshll.u32 s1, $0x11  }
0xbb: {  	s0 =	sor.u32 s1, s0  }
0xbc: {  	s0 =	sadd.s32 $0x8F2B, s0  }
0xbd: {  	[sflag:s0] =	ssyncadd.remote.s32 $0x1  }
0xbe: {  	_ =	sfence.sel $0xFFFF  }
0xbf: {  	[dreg:$0x0] =	wrdreg $0xFFFFFFFF;
	(pc) =	sbr.abs _section_cstart, $3  }
0xc0: {  	[dreg:$0x1] =	wrdreg $0xFFFFFFFF  }
0xc1: {  	_ =	task.clear_ibuf [dreg:s7], $0x2FFFF;
	_ =	strace $0x9FFFFFFF  }
0xc2: {  	(tm) =	ssettm $0x7FFFFFFF  }
0xc3: {  	_ =	shalt  }
tec
execute0_lowered:
.L_overlay_start_1:
0x0: {  	(tag) =	ssettag $0x1  }
0x1: {  	s6 =	rddreg [dreg:$0x0]  }
0x2: {  	s1 =	rddreg [dreg:$0x1]  }
0x3: {  	s0 =	rddreg [dreg:$0x2];
	s3 =	simm.s32 $0x0;
	s2 =	stileid.u32  }
0x4: {  	s5 =	srdreg.scid;
	s12 =	simm.s32 $0x1980;
	s13 =	simm.s32 $0x1A00  }
0x5: {  	s14 =	simm.s32 $0x1A80;
	s15 =	simm.s32 $0x1B00;
	s16 =	simm.s32 $0x1B80  }
0x6: {  	s17 =	simm.s32 $0x5B80;
	s18 =	simm.s32 $0x9B80;
	s19 =	simm.s32 $0xDB80  }
0x7: {  	s20 =	simm.s32 $0x11B80;
	s21 =	simm.s32 $0x2;
	s22 =	simm.s32 $0x1000  }
0x8: {  	s23 =	simm.s32 $0x3;
	[smem:$0x7FF] =	sst s3;
	s4 =	sadd.s32 $0x319800, s6  }
0x9: {  	s7 =	smul.u32 $0x640000, s2;
	s8 =	sand.u32 $0x1, s5;
	s5 =	sadd.s32 $0x3BBA00, s6  }
0xa: {  	s11 =	sshll.u32 s2, $0x1;
	_ =	strace $0x8000004A;
	s9 =	ssub.s32 $0x2, s8  }
0xb: {  	s10 =	smul.u32 $0x320000, s8;
	s8 =	sor.u32 s8, s11;
	s30 =	sshrl.u32 s9, $0x1  }
0xc: {  	s11 =	simm.s32 $0x1900;
	s6 =	sadd.s32 s7, s6;
	s7 =	ssub.s32 s9, s30  }
0xd: {  	s31 =	sadd.s32 s10, s6;
	s6 =	smul.u32 $0x1900, s8;
	s9 =	simm.s32 $0x1  }
0xe: {  	s10 =	simm.s32 $0x80;
	s7 =	smax.u32 s7, $0x1;
	s8 =	sadd.s32 $0x6C9000, s31  }
.LBB2_1:
0xf: {  	s24 =	smov.u32 s8;
	s25 =	simm.s32 $0x0  }
.LBB2_2:
0x10: {  	s26 =	smul.u32 $0x32000, s25;
	_ =	sdelay $0x1  }
0x11: {  	s26 =	sadd.s32 s6, s26  }
0x12: {  	s26 =	sshrl.u32 s26, $0x3  }
0x13: {  	s28 =	simm.s32 $0x0;
	s26 =	sadd.s32 s1, s26  }
0x14: {  	[tilespmem:s28], [sflag:$0x1] =	stream.linear.gather [hbm4b:s26+s28], $0x1900, $0x38;
	[tilespmem:$0x15B80] =	vst v63  }
0x15: {  	_ =	swait.ge [sflag:s9], $0x1900  }
0x16: {  	[sflag:s9] =	ssyncset.done $0x0  }
0x17: {  	s31 =	simm.s32 $0x0;
	[sflag:s9] =	ssyncadd.s32 $0xFFFFE700  }
0x18: {  	[tilespmem:s11], [sflag:$0x1] =	stream.indirect.gather [hbm4b:s4+s10], $0x1, s31, s10, $0xb8;
	[tilespmem:$0x15B80] =	vst v63  }
0x19: {  	s29 =	simm.s32 $0x80  }
0x1a: {  	[tilespmem:s12], [sflag:$0x1] =	stream.indirect.gather [hbm4b:s4+s10], $0x1, s29, s10, $0xb8;
	[tilespmem:$0x15B80] =	vst v63  }
0x1b: {  	s31 =	simm.s32 $0x100  }
0x1c: {  	[tilespmem:s13], [sflag:$0x1] =	stream.indirect.gather [hbm4b:s4+s10], $0x1, s31, s10, $0xb8;
	[tilespmem:$0x15B80] =	vst v63  }
0x1d: {  	s29 =	simm.s32 $0x180  }
0x1e: {  	[tilespmem:s14], [sflag:$0x1] =	stream.indirect.gather [hbm4b:s4+s10], $0x1, s29, s10, $0xb8;
	[tilespmem:$0x15B80] =	vst v63  }
0x1f: {  	s31 =	simm.s32 $0x200  }
0x20: {  	[tilespmem:s15], [sflag:$0x1] =	stream.indirect.gather [hbm4b:s4+s10], $0x1, s31, s10, $0xb8;
	[tilespmem:$0x15B80] =	vst v63  }
0x21: {  	_ =	swait.ge [sflag:s9], $0x80  }
0x22: {  	[sflag:s9] =	ssyncset.done $0x0  }
0x23: {  	[sflag:s9] =	ssyncadd.s32 $0xFFFFFF80  }
0x24: {  	_ =	swait.ge [sflag:s9], $0x80  }
0x25: {  	[sflag:s9] =	ssyncset.done $0x0  }
0x26: {  	[sflag:s9] =	ssyncadd.s32 $0xFFFFFF80  }
0x27: {  	_ =	swait.ge [sflag:s9], $0x80  }
0x28: {  	[sflag:s9] =	ssyncset.done $0x0  }
0x29: {  	[sflag:s9] =	ssyncadd.s32 $0xFFFFFF80  }
0x2a: {  	_ =	swait.ge [sflag:s9], $0x80  }
0x2b: {  	[sflag:s9] =	ssyncset.done $0x0  }
0x2c: {  	[sflag:s9] =	ssyncadd.s32 $0xFFFFFF80  }
0x2d: {  	_ =	swait.ge [sflag:s9], $0x80  }
0x2e: {  	[sflag:s9] =	ssyncset.done $0x0  }
0x2f: {  	[sflag:s9] =	ssyncadd.s32 $0xFFFFFF80  }
0x30: {  	[tilespmem:s16], [sflag:$0x2] =	stream.indirect.gather [hbm4b:s5+s10], $0x20, s11, s10, $0xb8;
	[tilespmem:$0x15B80] =	vst v63  }
0x31: {  	_ = 	snop  }
0x32: {  	[tilespmem:s17], [sflag:$0x2] =	stream.indirect.gather [hbm4b:s5+s10], $0x20, s12, s10, $0xb8;
	[tilespmem:$0x15B80] =	vst v63  }
0x33: {  	_ = 	snop  }
0x34: {  	[tilespmem:s18], [sflag:$0x2] =	stream.indirect.gather [hbm4b:s5+s10], $0x20, s13, s10, $0xb8;
	[tilespmem:$0x15B80] =	vst v63  }
0x35: {  	_ = 	snop  }
0x36: {  	[tilespmem:s19], [sflag:$0x2] =	stream.indirect.gather [hbm4b:s5+s10], $0x20, s14, s10, $0xb8;
	[tilespmem:$0x15B80] =	vst v63  }
0x37: {  	_ = 	snop  }
0x38: {  	[tilespmem:s20], [sflag:$0x2] =	stream.indirect.gather [hbm4b:s5+s10], $0x20, s15, s10, $0xb8;
	[tilespmem:$0x15B80] =	vst v63  }
0x39: {  	_ =	swait.ge [sflag:s21], $0x1000  }
0x3a: {  	[sflag:s21] =	ssyncset.done $0x0  }
0x3b: {  	[sflag:s21] =	ssyncadd.s32 $0xFFFFF000  }
0x3c: {  	_ =	swait.ge [sflag:s21], $0x1000  }
0x3d: {  	[sflag:s21] =	ssyncset.done $0x0  }
0x3e: {  	[sflag:s21] =	ssyncadd.s32 $0xFFFFF000  }
0x3f: {  	_ =	swait.ge [sflag:s21], $0x1000  }
0x40: {  	[sflag:s21] =	ssyncset.done $0x0  }
0x41: {  	[sflag:s21] =	ssyncadd.s32 $0xFFFFF000  }
0x42: {  	_ =	swait.ge [sflag:s21], $0x1000  }
0x43: {  	[sflag:s21] =	ssyncset.done $0x0  }
0x44: {  	[sflag:s21] =	ssyncadd.s32 $0xFFFFF000  }
0x45: {  	_ =	swait.ge [sflag:s21], $0x1000  }
0x46: {  	[sflag:s21] =	ssyncset.done $0x0  }
0x47: {  	[sflag:s21] =	ssyncadd.s32 $0xFFFFF000  }
0x48: {  	[hbm4b:s24+s10] =	stream.strided.scatter [tilespmem:s16], [sflag:$0x3], $0x14000, s22, s10, $0x38;
	[tilespmem:$0x15B80] =	vst v63  }
0x49: {  	s30 =	simm.s32 $0x1400;
	_ =	swait.ge [sflag:s23], $0x14000  }
0x4a: {  	s28 =	simm.s32 $0xA00;
	s26 =	sadd.s32 $0x50000, s24;
	[sflag:s23] =	ssyncset.done $0x0  }
.LBB2_3:
0x4b: {  	s31 =	sshra.s32 s28, $0x2  }
0x4c: {  	[sflag:s23] =	ssyncadd.s32 $0xFFFEC000;
	s28 =	smov.u32 s30;
	s29 =	sadd.s32 $0xA00, s30  }
0x4d: {  	[tilespmem:s11], [sflag:$0x1] =	stream.indirect.gather [hbm4b:s4+s10], $0x1, s31, s10, $0xb8;
	[tilespmem:$0x15B80] =	vst v63  }
0x4e: {  	p0 =	sne.s32 s30, $0x5A00;
	s30 =	sadd.s32 $0x80, s31  }
0x4f: {  	[tilespmem:s12], [sflag:$0x1] =	stream.indirect.gather [hbm4b:s4+s10], $0x1, s30, s10, $0xb8;
	[tilespmem:$0x15B80] =	vst v63  }
0x50: {  	s30 =	sadd.s32 $0x100, s31  }
0x51: {  	[tilespmem:s13], [sflag:$0x1] =	stream.indirect.gather [hbm4b:s4+s10], $0x1, s30, s10, $0xb8;
	[tilespmem:$0x15B80] =	vst v63  }
0x52: {  	s30 =	sadd.s32 $0x180, s31  }
0x53: {  	[tilespmem:s14], [sflag:$0x1] =	stream.indirect.gather [hbm4b:s4+s10], $0x1, s30, s10, $0xb8;
	[tilespmem:$0x15B80] =	vst v63  }
0x54: {  	s30 =	sadd.s32 $0x200, s31  }
0x55: {  	[tilespmem:s15], [sflag:$0x1] =	stream.indirect.gather [hbm4b:s4+s10], $0x1, s30, s10, $0xb8;
	[tilespmem:$0x15B80] =	vst v63  }
0x56: {  	_ =	swait.ge [sflag:s9], $0x80  }
0x57: {  	[sflag:s9] =	ssyncset.done $0x0  }
0x58: {  	[sflag:s9] =	ssyncadd.s32 $0xFFFFFF80  }
0x59: {  	_ =	swait.ge [sflag:s9], $0x80  }
0x5a: {  	[sflag:s9] =	ssyncset.done $0x0  }
0x5b: {  	[sflag:s9] =	ssyncadd.s32 $0xFFFFFF80  }
0x5c: {  	_ =	swait.ge [sflag:s9], $0x80  }
0x5d: {  	[sflag:s9] =	ssyncset.done $0x0  }
0x5e: {  	[sflag:s9] =	ssyncadd.s32 $0xFFFFFF80  }
0x5f: {  	_ =	swait.ge [sflag:s9], $0x80  }
0x60: {  	[sflag:s9] =	ssyncset.done $0x0  }
0x61: {  	[sflag:s9] =	ssyncadd.s32 $0xFFFFFF80  }
0x62: {  	_ =	swait.ge [sflag:s9], $0x80  }
0x63: {  	[sflag:s9] =	ssyncset.done $0x0  }
0x64: {  	[sflag:s9] =	ssyncadd.s32 $0xFFFFFF80  }
0x65: {  	[tilespmem:s16], [sflag:$0x2] =	stream.indirect.gather [hbm4b:s5+s10], $0x20, s11, s10, $0xb8;
	[tilespmem:$0x15B80] =	vst v63  }
0x66: {  	_ = 	snop  }
0x67: {  	[tilespmem:s17], [sflag:$0x2] =	stream.indirect.gather [hbm4b:s5+s10], $0x20, s12, s10, $0xb8;
	[tilespmem:$0x15B80] =	vst v63  }
0x68: {  	_ = 	snop  }
0x69: {  	[tilespmem:s18], [sflag:$0x2] =	stream.indirect.gather [hbm4b:s5+s10], $0x20, s13, s10, $0xb8;
	[tilespmem:$0x15B80] =	vst v63  }
0x6a: {  	_ = 	snop  }
0x6b: {  	[tilespmem:s19], [sflag:$0x2] =	stream.indirect.gather [hbm4b:s5+s10], $0x20, s14, s10, $0xb8;
	[tilespmem:$0x15B80] =	vst v63  }
0x6c: {  	_ = 	snop  }
0x6d: {  	[tilespmem:s20], [sflag:$0x2] =	stream.indirect.gather [hbm4b:s5+s10], $0x20, s15, s10, $0xb8;
	[tilespmem:$0x15B80] =	vst v63  }
0x6e: {  	_ =	swait.ge [sflag:s21], $0x1000  }
0x6f: {  	[sflag:s21] =	ssyncset.done $0x0  }
0x70: {  	[sflag:s21] =	ssyncadd.s32 $0xFFFFF000  }
0x71: {  	_ =	swait.ge [sflag:s21], $0x1000  }
0x72: {  	[sflag:s21] =	ssyncset.done $0x0  }
0x73: {  	[sflag:s21] =	ssyncadd.s32 $0xFFFFF000  }
0x74: {  	_ =	swait.ge [sflag:s21], $0x1000  }
0x75: {  	[sflag:s21] =	ssyncset.done $0x0  }
0x76: {  	[sflag:s21] =	ssyncadd.s32 $0xFFFFF000  }
0x77: {  	_ =	swait.ge [sflag:s21], $0x1000  }
0x78: {  	[sflag:s21] =	ssyncset.done $0x0  }
0x79: {  	[sflag:s21] =	ssyncadd.s32 $0xFFFFF000  }
0x7a: {  	_ =	swait.ge [sflag:s21], $0x1000  }
.Ltmp0:
0x7b: {  	[sflag:s21] =	ssyncset.done $0x0;
	(pc) =	sbr.rel @p0 .LBB2_3-.Ltmp0, $4  }
0x7c: {  	[sflag:s21] =	ssyncadd.s32 $0xFFFFF000  }
0x7d: {  	[hbm4b:s26+s10] =	stream.strided.scatter [tilespmem:s16], [sflag:$0x3], $0x14000, s22, s10, $0x38;
	[tilespmem:$0x15B80] =	vst v63  }
0x7e: {  	_ =	swait.ge [sflag:s23], $0x14000  }
0x7f: {  	s30 =	smov.u32 s29;
	s26 =	sadd.s32 $0x50000, s26;
	[sflag:s23] =	ssyncset.done $0x0  }
0x80: {  	s28 =	sshra.s32 s28, $0x2;
	[sflag:s23] =	ssyncadd.s32 $0xFFFEC000  }
0x81: {  	[tilespmem:s11], [sflag:$0x1] =	stream.indirect.gather [hbm4b:s4+s10], $0x1, s28, s10, $0xb8;
	[tilespmem:$0x15B80] =	vst v63  }
0x82: {  	s29 =	sadd.s32 $0x80, s28  }
0x83: {  	[tilespmem:s12], [sflag:$0x1] =	stream.indirect.gather [hbm4b:s4+s10], $0x1, s29, s10, $0xb8;
	[tilespmem:$0x15B80] =	vst v63  }
0x84: {  	s30 =	sadd.s32 $0x100, s28  }
0x85: {  	[tilespmem:s13], [sflag:$0x1] =	stream.indirect.gather [hbm4b:s4+s10], $0x1, s30, s10, $0xb8;
	[tilespmem:$0x15B80] =	vst v63  }
0x86: {  	s31 =	sadd.s32 $0x180, s28  }
0x87: {  	[tilespmem:s14], [sflag:$0x1] =	stream.indirect.gather [hbm4b:s4+s10], $0x1, s31, s10, $0xb8;
	[tilespmem:$0x15B80] =	vst v63  }
0x88: {  	s28 =	sadd.s32 $0x200, s28  }
0x89: {  	[tilespmem:s15], [sflag:$0x1] =	stream.indirect.gather [hbm4b:s4+s10], $0x1, s28, s10, $0xb8;
	[tilespmem:$0x15B80] =	vst v63  }
0x8a: {  	_ =	swait.ge [sflag:s9], $0x80  }
0x8b: {  	[sflag:s9] =	ssyncset.done $0x0  }
0x8c: {  	[sflag:s9] =	ssyncadd.s32 $0xFFFFFF80  }
0x8d: {  	_ =	swait.ge [sflag:s9], $0x80  }
0x8e: {  	[sflag:s9] =	ssyncset.done $0x0  }
0x8f: {  	[sflag:s9] =	ssyncadd.s32 $0xFFFFFF80  }
0x90: {  	_ =	swait.ge [sflag:s9], $0x80  }
0x91: {  	[sflag:s9] =	ssyncset.done $0x0  }
0x92: {  	[sflag:s9] =	ssyncadd.s32 $0xFFFFFF80  }
0x93: {  	_ =	swait.ge [sflag:s9], $0x80  }
0x94: {  	[sflag:s9] =	ssyncset.done $0x0  }
0x95: {  	[sflag:s9] =	ssyncadd.s32 $0xFFFFFF80  }
0x96: {  	_ =	swait.ge [sflag:s9], $0x80  }
0x97: {  	[sflag:s9] =	ssyncset.done $0x0  }
0x98: {  	[sflag:s9] =	ssyncadd.s32 $0xFFFFFF80  }
0x99: {  	[tilespmem:s16], [sflag:$0x2] =	stream.indirect.gather [hbm4b:s5+s10], $0x20, s11, s10, $0xb8;
	[tilespmem:$0x15B80] =	vst v63  }
0x9a: {  	_ = 	snop  }
0x9b: {  	[tilespmem:s17], [sflag:$0x2] =	stream.indirect.gather [hbm4b:s5+s10], $0x20, s12, s10, $0xb8;
	[tilespmem:$0x15B80] =	vst v63  }
0x9c: {  	_ = 	snop  }
0x9d: {  	[tilespmem:s18], [sflag:$0x2] =	stream.indirect.gather [hbm4b:s5+s10], $0x20, s13, s10, $0xb8;
	[tilespmem:$0x15B80] =	vst v63  }
0x9e: {  	_ = 	snop  }
0x9f: {  	[tilespmem:s19], [sflag:$0x2] =	stream.indirect.gather [hbm4b:s5+s10], $0x20, s14, s10, $0xb8;
	[tilespmem:$0x15B80] =	vst v63  }
0xa0: {  	_ = 	snop  }
0xa1: {  	[tilespmem:s20], [sflag:$0x2] =	stream.indirect.gather [hbm4b:s5+s10], $0x20, s15, s10, $0xb8;
	[tilespmem:$0x15B80] =	vst v63  }
0xa2: {  	_ =	swait.ge [sflag:s21], $0x1000  }
0xa3: {  	[sflag:s21] =	ssyncset.done $0x0  }
0xa4: {  	[sflag:s21] =	ssyncadd.s32 $0xFFFFF000  }
0xa5: {  	_ =	swait.ge [sflag:s21], $0x1000  }
0xa6: {  	[sflag:s21] =	ssyncset.done $0x0  }
0xa7: {  	[sflag:s21] =	ssyncadd.s32 $0xFFFFF000  }
0xa8: {  	_ =	swait.ge [sflag:s21], $0x1000  }
0xa9: {  	[sflag:s21] =	ssyncset.done $0x0  }
0xaa: {  	[sflag:s21] =	ssyncadd.s32 $0xFFFFF000  }
0xab: {  	_ =	swait.ge [sflag:s21], $0x1000  }
0xac: {  	[sflag:s21] =	ssyncset.done $0x0  }
0xad: {  	[sflag:s21] =	ssyncadd.s32 $0xFFFFF000  }
0xae: {  	s25 =	sadd.s32 $0x1, s25;
	_ =	swait.ge [sflag:s21], $0x1000  }
0xaf: {  	p0 =	sne.s32 s25, $0x1B;
	[sflag:s21] =	ssyncset.done $0x0  }
.Ltmp1:
0xb0: {  	[sflag:s21] =	ssyncadd.s32 $0xFFFFF000;
	(pc) =	sbr.rel @p0 .LBB2_2-.Ltmp1, $4  }
0xb1: {  	[hbm4b:s26+s10] =	stream.strided.scatter [tilespmem:s16], [sflag:$0x3], $0x14000, s22, s10, $0x38;
	[tilespmem:$0x15B80] =	vst v63  }
0xb2: {  	_ =	swait.ge [sflag:s23], $0x14000  }
0xb3: {  	[sflag:s23] =	ssyncset.done $0x0  }
0xb4: {  	s24 =	sadd.s32 $0x10, s24;
	[sflag:s23] =	ssyncadd.s32 $0xFFFEC000  }
0xb5: {  	s3 =	sadd.s32 $0x1, s3  }
0xb6: {  	p0 =	sne.s32 s3, s7  }
.Ltmp2:
0xb7: {  	_ = 	snop;
	(pc) =	sbr.rel @p0 .LBB2_1-.Ltmp2, $1  }
0xb8: {  	_ =	sdelay $0x3  }
0xb9: {  	_ =	sfence.sel $0x180000  }
0xba: {  	[bflag:$0x0] =	sbarrier.arrive $0xFFFF  }
0xbb: {  	p0 =	sne.s32 s2, $0x0;
	_ =	strace $0x9000004A  }
0xbc: {  	s0 =	sadd.s32 @!p0 $0x100000, s0;
	[bflag:$0x2] =	sbarrier.arrive $0xFFFF  }
0xbd: {  	[sflag:s0] =	ssyncadd.tile.s32 @!p0 $0x1;
	_ =	shalt  }
.Lfunc_end2:
_tile_overlayer_lowered:
.L_overlay_start_2:
0xbe: {  	(tag) =	ssettag $0x2  }
0xbf: {  	s0 =	rddreg [dreg:$0x0];
	s2 =	stileid.u32  }
0xc0: {  	s1 =	rddreg [dreg:$0x1];
	p0 =	sne.s32 s2, $0x0  }
0xc1: {  	s3 =	rddreg [dreg:$0x2];
	[bflag:$0x3] =	sbarrier.arrive $0xFFFF;
	s2 =	simm.s32 @!p0 $0x1C03  }
0xc2: {  	[timem:s3], [sflag:s2] =	dma.local @!p0 [hbm:s0], s1  }
0xc3: {  	s0 =	simm.s32 @!p0 $0x3  }
0xc4: {  	_ =	swait.ge @!p0 [sflag:s0], s1  }
0xc5: {  	s1 =	ssub.s32 @!p0 $0x0, s1;
	[sflag:s0] =	ssyncset.done @!p0 $0x0  }
0xc6: {  	[sflag:s0] =	ssyncadd.s32 @!p0 s1  }
0xc7: {  	[bflag:$0x3] =	sbarrier.arrive $0xFFFF  }
0xc8: {  	_ =	shalt  }

// kernel: scatter_offload_async_start
scs
__scs_entry_jumppad:
0x0: {  	(pc) =	sbr.rel $0x88, $3  }
0x1: {  	(tag) =	ssettag $0x0;
	lr =	simm.s32 $0x1  }
0x2: {  	[smem:$0x3F9E] =	sst lr;
	_ =	strace $0xD0000000  }
0x3: {  	_ = 	snop  }
0x4: {  	_ = 	snop  }
0x5: {  	_ = 	snop  }
0x6: {  	_ = 	snop  }
0x7: {  	_ = 	snop  }
__scs_overlays_trampoline_lowered:
0x8: {  	[smem:$0x3FAD] =	sst s0  }
0x9: {  	[smem:$0x3FAE] =	sst s1  }
0xa: {  	[smem:$0x3FAF] =	sst s2  }
0xb: {  	[smem:$0x3FB0] =	sst s3  }
0xc: {  	[smem:$0x3FB1] =	sst s4  }
0xd: {  	[smem:$0x3FB2] =	sst s5  }
0xe: {  	[smem:$0x3FB3] =	sst s6  }
0xf: {  	[smem:$0x3FB4] =	sst s7  }
0x10: {  	[smem:$0x3FB5] =	sst s8  }
0x11: {  	[smem:$0x3FB6] =	sst s9;
	s0 =	simm.s32 @!p0 $0x0  }
0x12: {  	s1 =	sld [smem:$0x3F9C];
	s0 =	simm.s32 @p0 $0x1  }
0x13: {  	[smem:$0x3FB7] =	sst s0;
	s0 =	simm.s32 @!p1 $0x0  }
0x14: {  	s2 =	sld [smem:$0x3F9B];
	s0 =	simm.s32 @p1 $0x1  }
0x15: {  	[smem:$0x3FB8] =	sst s0;
	s0 =	simm.s32 @!p2 $0x0  }
0x16: {  	s3 =	sld [smem:$0x3FDB];
	s0 =	simm.s32 @p2 $0x1  }
0x17: {  	s4 =	simm.s32 $0x1BF5;
	[smem:$0x3FBA] =	sst s0  }
0x18: {  	s0 =	sld [smem:$0x3F9D];
	_ =	swait.ge [sflag:s4], $0x0  }
0x19: {  	s7 =	sld [smem:$0x3F9E]  }
0x1a: {  	s8 =	sadd.s32 $0xFFFFE003, lr  }
0x1b: {  	s9 =	sadd.s32 $0xFFFFFEF7, lr;
	s5 =	simm.s32 $0xFFFFFFFF;
	p2 =	slt.u32 s8, $0xFFFFF086  }
0x1c: {  	p1 =	slt.u32 s9, $0xF7A;
	s5 =	simm.s32 @!p2 $0x0  }
0x1d: {  	s5 =	simm.s32 @p1 $0x1;
	p0 =	seq.s32 s7, s2  }
0x1e: {  	s7 =	smul.u32 @!p0 $0xF7A, s2;
	p2 =	seq.s32 @!p0 s5, $0x0  }
0x1f: {  	s9 =	smul.u32 $0xF7A, s1;
	s8 =	simm.s32 @!p0 $0x1BF5;
	p2 =	por !p2, p0  }
0x20: {  	[sflag:s8] =	ssyncset.s32 @!p0 $0xFFFFF086;
	s6 =	sadd.s32 @!p0 s3, s7;
	s7 =	simm.s32 @!p0 $0x108  }
0x21: {  	s3 =	sadd.s32 s3, s9;
	s6 =	sadd.s32 @!p0 $0x88, s6;
	s7 =	simm.s32 @p2 $0x1082  }
0x22: {  	[simem:s7], [sflag:s8] =	dma.local @!p0 [hbm:s6], $0xF7A  }
0x23: {  	s9 =	sor.u32 $0xD0000000, s2;
	s6 =	simm.s32 $0x108;
	_ =	swait.ge @!p0 [sflag:s8], $0x0  }
0x24: {  	s3 =	sadd.s32 $0x88, s3;
	s6 =	simm.s32 @!p1 $0x1082;
	[sflag:s4] =	ssyncset.s32 $0xFFFFF086  }
0x25: {  	[simem:s6], [sflag:s4] =	dma.local [hbm:s3], $0xF7A  }
0x26: {  	[smem:$0x3F9E] =	sst s1;
	(tag) =	ssettag s2;
	_ =	strace s9  }
0x27: {  	s1 =	sld [smem:$0x3FAE]  }
0x28: {  	s2 =	sld [smem:$0x3FAF]  }
0x29: {  	s4 =	sld [smem:$0x3FB1]  }
0x2a: {  	p0 =	seq.s32 s5, $0x0;
	s5 =	sld [smem:$0x3FB2]  }
0x2b: {  	s6 =	sld [smem:$0x3FB3]  }
0x2c: {  	s7 =	sld [smem:$0x3FB4]  }
0x2d: {  	s3 =	simm.s32 $0x108;
	s8 =	sld [smem:$0x3FB5]  }
0x2e: {  	s3 =	simm.s32 @!p0 $0x1082;
	s9 =	sld [smem:$0x3FB6]  }
0x2f: {  	lr =	sadd.s32 s0, s3;
	s0 =	sld [smem:$0x3FAD]  }
0x30: {  	s3 =	sld [smem:$0x3FB0]  }
0x31: {  	[smem:$0x3FB9] =	sst s10  }
0x32: {  	s10 =	sld [smem:$0x3FB7];
	_ =	sdelay $0x3  }
0x33: {  	p0 =	seq.s32 s10, $0x1;
	s10 =	sld [smem:$0x3FB9];
	_ =	sdelay $0x3  }
0x34: {  	[smem:$0x3FB9] =	sst s10  }
0x35: {  	s10 =	sld [smem:$0x3FB8];
	_ =	sdelay $0x3  }
0x36: {  	p1 =	seq.s32 s10, $0x1;
	s10 =	sld [smem:$0x3FB9];
	_ =	sdelay $0x3  }
0x37: {  	[smem:$0x3FB9] =	sst s10  }
0x38: {  	s10 =	sld [smem:$0x3FBA]  }
0x39: {  	_ = 	snop;
	(pc) =	sbr.ind lr, $3  }
0x3a: {  	_ = 	snop  }
0x3b: {  	_ = 	snop  }
0x3c: {  	p2 =	seq.s32 s10, $0x1;
	s10 =	sld [smem:$0x3FB9]  }
0x3d: {  	_ =	shalt  }
0x3e: {  	_ =	shalt  }
0x3f: {  	_ =	shalt  }
0x40: {  	_ =	shalt  }
0x41: {  	_ =	shalt  }
0x42: {  	_ =	shalt  }
0x43: {  	_ =	shalt  }
0x44: {  	_ =	shalt  }
0x45: {  	_ =	shalt  }
0x46: {  	_ =	shalt  }
0x47: {  	_ =	shalt  }
0x48: {  	_ =	shalt  }
0x49: {  	_ =	shalt  }
0x4a: {  	_ =	shalt  }
0x4b: {  	_ =	shalt  }
0x4c: {  	_ =	shalt  }
0x4d: {  	_ =	shalt  }
0x4e: {  	_ =	shalt  }
0x4f: {  	_ =	shalt  }
0x50: {  	_ =	shalt  }
0x51: {  	_ =	shalt  }
0x52: {  	_ =	shalt  }
0x53: {  	_ =	shalt  }
0x54: {  	_ =	shalt  }
0x55: {  	_ =	shalt  }
0x56: {  	_ =	shalt  }
0x57: {  	_ =	shalt  }
0x58: {  	_ =	shalt  }
0x59: {  	_ =	shalt  }
0x5a: {  	_ =	shalt  }
0x5b: {  	_ =	shalt  }
0x5c: {  	_ =	shalt  }
0x5d: {  	_ =	shalt  }
0x5e: {  	_ =	shalt  }
0x5f: {  	_ =	shalt  }
0x60: {  	_ =	shalt  }
0x61: {  	_ =	shalt  }
0x62: {  	_ =	shalt  }
0x63: {  	_ =	shalt  }
0x64: {  	_ =	shalt  }
0x65: {  	_ =	shalt  }
0x66: {  	_ =	shalt  }
0x67: {  	_ =	shalt  }
0x68: {  	_ =	shalt  }
0x69: {  	_ =	shalt  }
0x6a: {  	_ =	shalt  }
0x6b: {  	_ =	shalt  }
0x6c: {  	_ =	shalt  }
0x6d: {  	_ =	shalt  }
0x6e: {  	_ =	shalt  }
0x6f: {  	_ =	shalt  }
0x70: {  	_ =	shalt  }
0x71: {  	_ =	shalt  }
0x72: {  	_ =	shalt  }
0x73: {  	_ =	shalt  }
0x74: {  	_ =	shalt  }
0x75: {  	_ =	shalt  }
0x76: {  	_ =	shalt  }
0x77: {  	_ =	shalt  }
0x78: {  	_ =	shalt  }
0x79: {  	_ =	shalt  }
0x7a: {  	_ =	shalt  }
0x7b: {  	_ =	shalt  }
0x7c: {  	_ =	shalt  }
0x7d: {  	_ =	shalt  }
0x7e: {  	_ =	shalt  }
0x7f: {  	_ =	shalt  }
0x80: {  	_ =	shalt  }
0x81: {  	_ =	shalt  }
0x82: {  	_ =	shalt  }
0x83: {  	_ =	shalt  }
0x84: {  	_ =	shalt  }
0x85: {  	_ =	shalt  }
0x86: {  	_ =	shalt  }
0x87: {  	_ =	shalt  }
.Lfunc_end0:
.L_simem_size_0:
called_computation_lowered:
.L_overlay_start_0:
0x88: {  	s0 =	sld [smem:$0x3FD9]  }
0x89: {  	s1 =	sld [smem:$0x3FFE];
	_ =	sdelay $0x3  }
0x8a: {  	s0 =	sadd.s32 s1, s0  }
0x8b: {  	[smem:$0x3FC5] =	sst s0  }
0x8c: {  	_ = 	snop  }
0x8d: {  	(tm) =	ssettm $0x1  }
0x8e: {  	s15 =	sld [smem:$0x3FFB];
	_ =	sdelay $0x3  }
0x8f: {  	_ =	strace s15  }
0x90: {  	s0 =	sld [smem:$0x3FFC];
	_ =	sdelay $0x3  }
0x91: {  	_ =	strace s0  }
0x92: {  	s0 =	sld [smem:$0x3FFD];
	_ =	sdelay $0x3  }
0x93: {  	_ =	strace s0  }
0x94: {  	_ =	strace $0x8FFFFFFF  }
0x95: {  	s16 =	sld [smem:$0x3FDB];
	_ =	sdelay $0x1  }
0x96: {  	s17 =	simm.s32 $_scs_section_size  }
0x97: {  	s2 =	simm.s32 $_size__tile_overlayer_lowered;
	s3 =	simm.s32 $_tile_overlayer_lowered  }
0x98: {  	s20 =	simm.s32 $0x1BFF;
	s19 =	sshll.u32 s3, $0x1;
	s0 =	sadd.s32 s17, s16  }
0x99: {  	s4 =	simm.s32 $0x0;
	s18 =	sshll.u32 s2, $0x1;
	s2 =	sadd.s32 s19, s0  }
0x9a: {  	[timem:s4], [sflag:s20] =	dma.local [hbm:s2], s18  }
0x9b: {  	_ =	swait.ge [sflag:s20], s18  }
0x9c: {  	s1 =	ssub.s32 $0x0, s18;
	[sflag:s20] =	ssyncset.done $0x0  }
0x9d: {  	[sflag:s20] =	ssyncadd.s32 s1;
	_ =	sdelay $0x1  }
0x9e: {  	s21 =	simm.s32 $0x1B8B  }
0x9f: {  	_ =	swait.ge [sflag:s21], $0x1  }
0xa0: {  	[sflag:s21] =	ssyncset.done $0x0  }
0xa1: {  	s23 =	simm.s32 $0x1B8E;
	s22 =	sld [smem:$0x3FFE];
	[sflag:s21] =	ssyncadd.s32 $0xFFFFFFFF  }
0xa2: {  	s24 =	simm.s32 $execute0_lowered;
	[smem:$0x3FD2] =	sst s23  }
0xa3: {  	s2 =	sshll.u32 s24, $0x1;
	_ =	strace $0x80000046;
	[dreg:$0x1] =	wrdreg $0xFFFFFFFF  }
0xa4: {  	s25 =	simm.s32 $_size_execute0_lowered;
	s0 =	sadd.s32 s0, s2;
	[dreg:$0x0] =	wrdreg $0x0  }
0xa5: {  	s2 =	sshll.u32 s25, $0x1;
	[dreg:$0x2] =	wrdreg s0  }
0xa6: {  	[dreg:$0x3] =	wrdreg s2  }
0xa7: {  	[dreg:$0x4] =	wrdreg $0xC0  }
0xa8: {  	_ =	task [dreg:s4], $0x5FFFF  }
0xa9: {  	[dreg:$0x1] =	wrdreg $0xFFFFFFFF  }
0xaa: {  	[dreg:$0x0] =	wrdreg $0x60  }
0xab: {  	[dreg:$0x2] =	wrdreg s22  }
0xac: {  	[dreg:$0x3] =	wrdreg $0x9  }
0xad: {  	_ =	task.clear_ibuf [dreg:s4], $0x4FFFF;
	_ =	strace $0x90000046  }
0xae: {  	s26 =	simm.s32 $0x9;
	_ =	strace $0x80000048  }
0xaf: {  	_ =	swait.ge [sflag:s26], $0x1  }
0xb0: {  	[sflag:s26] =	ssyncadd.s32 $0xFFFFFFFF  }
0xb1: {  	_ =	strace $0x90000048  }
0xb2: {  	_ =	sfence  }
0xb3: {  	s28 =	sld [smem:$0x0];
	_ =	sdelay $0x1  }
0xb4: {  	s29 =	srdreg.scid  }
0xb5: {  	s30 =	sshll.u32 s29, $0xD;
	s31 =	sshrl.u32 s29, $0x2  }
0xb6: {  	s1 =	sand.u32 $0x1, s29;
	s2 =	sand.u32 $0x4000, s30;
	s0 =	sadd.s32 s31, s28  }
0xb7: {  	s1 =	sor.u32 s2, s1;
	s0 =	sshll.u32 s0, $0x11  }
0xb8: {  	s0 =	sor.u32 s0, s1  }
0xb9: {  	s0 =	sadd.s32 $0x8F2B, s0  }
0xba: {  	[sflag:s0] =	ssyncadd.remote.s32 $0x1  }
0xbb: {  	_ =	sfence.sel $0xFFFF  }
0xbc: {  	[dreg:$0x0] =	wrdreg $0xFFFFFFFF;
	(pc) =	sbr.abs _section_cstart, $3  }
0xbd: {  	[dreg:$0x1] =	wrdreg $0xFFFFFFFF  }
0xbe: {  	_ =	task.clear_ibuf [dreg:s4], $0x2FFFF;
	_ =	strace $0x9FFFFFFF  }
0xbf: {  	(tm) =	ssettm $0x7FFFFFFF  }
tec
execute0_lowered:
.L_overlay_start_1:
0x0: {  	(tag) =	ssettag $0x1  }
0x1: {  	s0 =	rddreg [dreg:$0x0];
	_ =	strace $0x80000047;
	s2 =	simm.s32 $0x1  }
0x2: {  	s14 =	stileid.u32;
	v1 =	vimm.s32 $0xFFFFFFFF;
	[sflag:s2] =	ssyncpa.u1 $0x0  }
0x3: {  	s1 =	smin.u32 s14, $0x9;
	[tilespmem:$0x10] =	vst v1  }
0x4: {  	v0 =	vimm.s32 $0x7FFFFFFF;
	s1 =	sadd.s32 s14, s1;
	[tilespmem:$0x20] =	vst v1  }
0x5: {  	p0 =	slt.u32 s14, $0x9;
	[tilespmem:$0x30] =	vst v0;
	s3 =	smul.u32 $0x1F40, s1;
	s1 =	simm.s32 $0x3E80  }
0x6: {  	[tilespmem:$0x40] =	vst v0;
	s1 =	simm.s32 @!p0 $0x1F40  }
0x7: {  	[tilespmem:$0x50] =	vst v0;
	s1 =	sadd.s32 s1, s3  }
0x8: {  	s7 =	simm.s32 $0x2;
	s8 =	simm.s32 $0x8;
	[tilespmem:$0x60] =	vst v1;
	s4 =	smin.u32 s1, $0x30D40  }
0x9: {  	s31 =	simm.s32 $0x9;
	s16 =	simm.s32 $0x0;
	[tilespmem:$0x70] =	vst v1;
	s6 =	ssub.s32 s4, s3  }
0xa: {  	s17 =	simm.s32 $0xF0;
	s18 =	simm.s32 $0xFFFFFFFF;
	[tilespmem:$0x80] =	vst v1;
	p0 =	sgt.s32 s6, $0x0  }
0xb: {  	s19 =	simm.s32 $0xFFFFC280;
	s20 =	simm.s32 $0xFFFFFFFE;
	v1 =	vimm.s32 $0x0;
	[tilespmem:$0xB0] =	vst v0;
	s6 =	simm.s32 @!p0 $0x0  }
0xc: {  	s21 =	simm.s32 $0xF;
	s25 =	simm.s32 $0x0;
	[tilespmem:$0x90] =	vst v1;
	s5 =	smulhi.u32 $0x10624DD3, s6  }
0xd: {  	s24 =	simm.s32 $0x0;
	[tilespmem:$0xA0] =	vst v1;
	[sflag:s7] =	ssyncpa.u1 $0x0;
	s7 =	simm.s32 $0x7  }
0xe: {  	[sflag:s7] =	ssyncpa.u1 $0x0;
	s1 =	sadd.s32 $0x319800, s0;
	s9 =	sshrl.u32 s5, $0x9  }
0xf: {  	[sflag:s8] =	ssyncpa.u1 $0x0;
	s5 =	sadd.s32 $0x30D400, s0;
	s10 =	smul.u32 $0x1F40, s9  }
.Ltmp0:
0x10: {  	s23 =	smov.u32 s3;
	s0 =	sadd.s32 $0x313600, s0;
	(pc) =	sbr.rel .LBB2_1-.Ltmp0, $4  }
0x11: {  	[sflag:s31] =	ssyncpa.u1 $0x0;
	[dreg:$0x2] =	wrdreg s0;
	p0 =	sne.s32 s6, s10  }
0x12: {  	s10 =	sshll.u32 s14, $0x1;
	s14 =	sshllo.u32 s14, $0x1;
	s2 =	simm.s32 @!p0 $0x0  }
0x13: {  	vm0 =	vmmov $0xffff;
	v2 =	vlaneseq.u32;
	s13 =	sor.u32 $0x81, s10;
	s15 =	sor.u32 $0x80, s10;
	s9 =	sadd.s32 s2, s9  }
0x14: {  	vm1 =	vmxor vm1, vm1;
	vm2 =	vmmov $0x1;
	vm3 =	vcmask $0x3F3C;
	p0 =	por $0x0, $0x0;
	s11 =	sadd.s32 $0x1, s9;
	s12 =	sadd.s32 $0x2, s9  }
.LBB2_9:
0x15: {  	p1 =	slt.u32 s24, $0x3  }
0x16: {  	s0 =	simm.s32 @!p1 $0x2  }
0x17: {  	_ =	swait.ge @!p1 [sflag:s0], $0x1F40  }
0x18: {  	[sflag:s0] =	ssyncset.done @!p1 $0x0  }
0x19: {  	[sflag:s0] =	ssyncadd.s32 @!p1 $0xFFFFE0C0;
	s0 =	simm.s32 @!p1 $0x9  }
0x1a: {  	_ =	swait.ge @!p1 [sflag:s0], $0x10  }
0x1b: {  	[sflag:s0] =	ssyncset.done @!p1 $0x0  }
0x1c: {  	[sflag:s0] =	ssyncadd.s32 @!p1 $0xFFFFFFF0;
	p1 =	sne.s32 s24, s12  }
.Ltmp1:
0x1d: {  	s2 =	sadd.s32 $0x1F40, s23;
	(pc) =	sbr.rel @!p1 .LBB2_10-.Ltmp1, $4  }
0x1e: {  	s6 =	smov.u32 s3;
	s31 =	sadd.s32 $0x1, s24;
	s17 =	sadd.s32 $0x1F40, s17  }
0x1f: {  	s18 =	sadd.s32 $0x1, s18;
	s25 =	smov.u32 s23;
	p2 =	slt.s32 s2, s4  }
0x20: {  	p0 =	por !p0, !p0;
	s19 =	sadd.s32 $0x1F40, s19;
	s6 =	smov.u32 @p2 s2  }
0x21: {  	s20 =	sadd.s32 $0x1, s20;
	s23 =	smov.u32 s6;
	s24 =	smov.u32 s31  }
.LBB2_1:
0x22: {  	p1 =	sge.u32 s24, s9  }
0x23: {  	s0 =	smulhi.u32 @!p1 $0xAAAAAAAB, s24;
	_ =	sdelay $0x1  }
0x24: {  	s0 =	sshrl.u32 @!p1 s0, $0x1  }
0x25: {  	s0 =	smul.u32 @!p1 $0x3, s0;
	_ =	sdelay $0x1  }
0x26: {  	s0 =	ssub.s32 @!p1 s24, s0  }
0x27: {  	s0 =	smul.u32 @!p1 $0x7D00, s0;
	_ =	sdelay $0x1  }
0x28: {  	s2 =	sshrl.u32 @!p1 s23, $0x3;
	s0 =	sshrl.u32 @!p1 s0, $0x2  }
0x29: {  	s6 =	sand.u32 @!p1 $0x7, s23;
	s2 =	sadd.s32 @!p1 s5, s2;
	s0 =	sadd.s32 @!p1 $0x100, s0  }
0x2a: {  	[tilespmem:s0], [sflag:$0x7] =	stream.linear.gather @!p1 [hbm4b:s2+s6], $0x1F40, $0x38;
	[tilespmem:$0x11A60] =	vst v63  }
0x2b: {  	s0 =	sadd.s32 $0xFFFFFFFF, s24  }
0x2c: {  	p1 =	sge.u32 s0, s9  }
.Ltmp2:
0x2d: {  	_ = 	snop;
	(pc) =	sbr.rel @p1 .LBB2_5-.Ltmp2, $1  }
0x2e: {  	_ =	sdelay $0x3  }
0x2f: {  	s2 =	smulhi.u32 $0xAAAAAAAB, s0;
	_ =	sdelay $0x1  }
0x30: {  	s2 =	sshrl.u32 s2, $0x1  }
0x31: {  	s2 =	smul.u32 $0x3, s2;
	_ =	sdelay $0x1  }
0x32: {  	s2 =	ssub.s32 s0, s2  }
0x33: {  	s2 =	smul.u32 $0x7D00, s2  }
0x34: {  	_ =	swait.ge [sflag:s7], $0x1F40  }
0x35: {  	[sflag:s7] =	ssyncset.done $0x0;
	s2 =	sshrl.u32 s2, $0x2  }
0x36: {  	[sflag:s7] =	ssyncadd.s32 $0xFFFFE0C0;
	(ifvalue) =	ssetifvalue $0xFFFFFFFF;
	v3 =	vld.msk [tilespmem:s2+$0x100 ss:$0x1], $0xffff;
	_ =	sdelay $0x2  }
0x37: {  	s30 =	smulhi.u32 $0xAAAAAAAB, s18;
	p1 =	sne.s32 s24, $0x1  }
0x38: {  	v4 =	vimm.s32 @!p1 $0x0  }
0x39: {  	s2 =	sshrl.u32 s30, $0x1;
	v4 =	vperm.xlane @!p1 v3, v4  }
0x3a: {  	s6 =	sshll.u32 s24, $0x4;
	s2 =	smul.u32 $0xFFFE8900, s2;
	vm4 =	vlt.u32 v3, $0x510400  }
0x3b: {  	s6 =	sand.u32 $0x10, s6;
	v3 =	vnsel vm4, $0xFFFFFFFE, v3;
	vm4 =	vlt.u32 @!p1 v4, $0x510400  }
0x3c: {  	s2 =	sshra.s32 s2, $0x2;
	[tilespmem:s6+$0x60] =	vst v3;
	v3 =	vnsel @!p1 vm4, $0xFFFFFFFE, v4  }
0x3d: {  	s26 =	sadd.s32 s2, s17;
	[tilespmem:$0x80] =	vst @!p1 v3  }
0x3e: {  	v3 =	vld.msk [tilespmem:s26+$0x0 ss:$0x1], $0xffff;
	_ =	sdelay $0x4  }
0x3f: {  	(xrf1) =	vunique.msk.u32 $0xffff, v3;
	_ =	sdelay $0xd  }
0x40: {  	v4 =	vimm.s32 $0xFFFFFFFF;
	v5, _, _ =	vpop (xrf1)  }
0x41: {  	vm5 =	vne.s32 v3, v4;
	vm4 =	veq.s32 v5, v2  }
0x42: {  	vm6 =	vlt.u32 v3, $0x510400;
	vm4 =	vmand vm5, vm4  }
0x43: {  	vm4 =	vmand vm6, vm4  }
0x44: {  	v4 =	vnsel vm4, $0xFFFFFFFF, v3  }
0x45: {  	s31 =	sand.u32 $0x1, s0  }
0x46: {  	s0 =	simm.s32 $0x1F40;
	p1 =	seq.s32 s31, $0x1  }
0x47: {  	s0 =	simm.s32 @!p1 $0x0  }
0x48: {  	s2 =	sadd.s32 $0x7DF0, s0;
	(ifvalue) =	ssetifvalue $0xFFFFFFFF  }
0x49: {  	v3 =	vperm.xlane v3, v1;
	[tilespmem:s2], [sflag:$0x8] =	stream.indirect_vreg.gather [hbm4b:s1+s16], $0x1, v4, vm0, $0x4038;
	v4 =	vnsel vm6, $0xFFFFFFFE, v4;
	[tilespmem:$0x11A60] =	vst v63  }
0x4a: {  	s22 =	sadd.s32 $0xFFFFFFF0, s26;
	s6 =	simm.s32 $0x0;
	[tilespmem:s26+$0x0] =	vst v4  }
.LBB2_3:
0x4b: {  	v4 =	vld.msk [tilespmem:s22+$0x0 ss:$0x1], $0xffff;
	s6 =	sadd.s32 $0x10, s6;
	v5 =	vmov v3;
	s26 =	smov.u32 s22  }
0x4c: {  	p1 =	slt.u32 s6, $0x1F30;
	_ =	sdelay $0x4  }
0x4d: {  	v3 =	vperm.xlane v4, v1;
	(xrf1) =	vunique.msk.u32 $0xffff, v4;
	_ =	sdelay $0xd  }
0x4e: {  	v6, _, _ =	vpop (xrf1)  }
0x4f: {  	vm5 =	vne.s32 v4, v5;
	vm4 =	veq.s32 v6, v2  }
0x50: {  	vm6 =	vlt.u32 v4, $0x510400;
	vm4 =	vmand vm5, vm4  }
0x51: {  	vm4 =	vmand vm6, vm4  }
0x52: {  	v4 =	vnsel vm4, $0xFFFFFFFF, v4  }
.Ltmp3:
0x53: {  	v5 =	vnsel vm6, $0xFFFFFFFE, v4;
	(pc) =	sbr.rel @p1 .LBB2_3-.Ltmp3, $3  }
0x54: {  	_ =	sdelay $0x1  }
0x55: {  	s22 =	sadd.s32 $0xFFFFFFF0, s22;
	s2 =	sadd.s32 $0xFFFFFFF0, s2;
	(ifvalue) =	ssetifvalue $0xFFFFFFFF  }
0x56: {  	[tilespmem:s2], [sflag:$0x8] =	stream.indirect_vreg.gather [hbm4b:s1+s16], $0x1, v4, vm0, $0x4038;
	[tilespmem:s26+$0x0] =	vst v5  }
0x57: {  	s2 =	sshrl.u32 s25, $0x3;
	s6 =	rddreg [dreg:$0x2]  }
0x58: {  	s0 =	sadd.s32 $0x9D40, s0;
	s2 =	sadd.s32 s6, s2  }
0x59: {  	[tilespmem:s0], [sflag:$0x8] =	stream.linear.gather [hbm:s2], $0x1F40, $0x38;
	[tilespmem:$0x11A60] =	vst v63  }
.LBB2_5:
0x5a: {  	p1 =	slt.u32 s24, $0x2  }
0x5b: {  	p2 =	sge.u32 @!p1 s24, s12  }
0x5c: {  	p1 =	por p1, p2  }
.Ltmp4:
0x5d: {  	_ = 	snop;
	(pc) =	sbr.rel @p1 .LBB2_9-.Ltmp4, $1  }
0x5e: {  	_ =	sdelay $0x3  }
0x5f: {  	s0 =	sadd.s32 $0xFFFFFFFE, s24  }
0x60: {  	s2 =	smulhi.u32 $0xAAAAAAAB, s0;
	_ =	sdelay $0x1  }
0x61: {  	s2 =	sshrl.u32 s2, $0x1  }
0x62: {  	s2 =	smul.u32 $0x3, s2;
	_ =	sdelay $0x1  }
0x63: {  	s0 =	ssub.s32 s0, s2  }
0x64: {  	_ =	swait.ge [sflag:s8], $0x3E80;
	s0 =	smul.u32 $0x1F40, s0  }
0x65: {  	p1 =	sne.s32 s24, s11;
	[sflag:s8] =	ssyncset.done $0x0  }
0x66: {  	[sflag:s8] =	ssyncadd.s32 $0xFFFFC180;
	s2 =	sadd.s32 @!p1 $0x203F, s0  }
0x67: {  	[spmem:s13] =	stream.linear.scatter @!p1 [tilespmem:s2], [sflag:$0x1], $0x1, $0x38;
	[tilespmem:$0x11A60] =	vst v63  }
0x68: {  	s2 =	simm.s32 @!p1 $0x1  }
0x69: {  	_ =	swait.ge @!p1 [sflag:s2], $0x1  }
0x6a: {  	s6 =	sshll.u32 s24, $0x4;
	[sflag:s2] =	ssyncset.done @!p1 $0x0  }
0x6b: {  	s25 =	sand.u32 $0x10, s6;
	[sflag:s2] =	ssyncadd.s32 @!p1 $0xFFFFFFFF  }
0x6c: {  	s2 =	sxor.u32 $0x10, s25;
	v4 =	vld [tilespmem:s25+$0x10]  }
0x6d: {  	v5 =	vld [tilespmem:s2+$0x60]  }
0x6e: {  	v3 =	vld [tilespmem:$0x80];
	_ =	sdelay $0x2  }
0x6f: {  	(v2sf) =	vpush v4, $0x0  }
0x70: {  	(v2sf) =	vpush v5, $0x0  }
0x71: {  	(v2sf) =	vpush v3, $0x0;
	_ =	sdelay $0xc  }
0x72: {  	s26 =	spop (v2sf)  }
0x73: {  	s22 =	spop (v2sf)  }
0x74: {  	s28 =	spop (v2sf)  }
0x75: {  	p3 =	seq.s32 s26, s22;
	p2 =	seq.s32 s28, s26  }
0x76: {  	p2 =	por p3, p2  }
0x77: {  	s26 =	sand.u32 $0x1, s24;
	v4 =	vpsel p2, $0xFFFFFFFF, v4  }
0x78: {  	s29 =	smul.u32 $0x1F40, s26;
	[tilespmem:s25+$0x10] =	vst.msk $0x1, v4  }
0x79: {  	v4 =	vld [tilespmem:$0x30]  }
0x7a: {  	v5 =	vld [tilespmem:s29+$0x9D40]  }
0x7b: {  	v6 =	vld [tilespmem:s25+$0x40];
	_ =	sdelay $0x3  }
0x7c: {  	vm4 =	vmmov vm1;
	vm6 =	vmmov vm2;
	vm5 =	vlt.s32 v4, v5  }
0x7d: {  	vm4 =	vmmov @p3 vm2;
	s6 =	sshll.u32 s26, $0x4;
	v5 =	vsel vm5, v4, v5;
	vm5 =	vlt.s32 v4, v6  }
0x7e: {  	vm6 =	vmmov @p2 vm1;
	s26 =	sor.u32 $0x11A40, s6;
	v4 =	vsel vm5, v4, v6;
	[tilespmem:s29+$0x9D40] =	vst.msk vm4, v5  }
0x7f: {  	[tilespmem:s26+$0x0] =	vst.msk vm6, v4  }
0x80: {  	v4 =	vld [tilespmem:s29+$0x7DF0];
	_ =	sdelay $0x4  }
0x81: {  	v4 =	vshift.insert v4, v1, s21  }
0x82: {  	s22 =	sor.u32 $0x40, s2  }
0x83: {  	v5 =	vimm.s32 $0x7FFFFFFF;
	[tilespmem:s22+$0x0] =	vst.msk $0x1, v4  }
0x84: {  	[tilespmem:s29+$0x7DFF] =	vst.msk $0x1, v5  }
0x85: {  	v4 =	vld [tilespmem:s0+$0x2030];
	_ =	sdelay $0x1  }
0x86: {  	s0 =	simm.s32 $0x1  }
0x87: {  	s22 =	smulhi.u32 $0xAAAAAAAB, s20;
	s0 =	simm.s32 @!p0 $0x0  }
0x88: {  	s0 =	smul.u32 $0x7D00, s0  }
0x89: {  	s6 =	sshrl.u32 s22, $0x1;
	v4 =	vshift.insert v4, v1, s21  }
0x8a: {  	s6 =	smul.u32 $0xFFFE8900, s6;
	s0 =	sshrl.u32 s0, $0x2  }
0x8b: {  	s22 =	sadd.s32 $0x9D40, s0;
	[tilespmem:s2+$0x10] =	vst.msk $0x1, v4  }
0x8c: {  	s6 =	sshra.s32 s6, $0x2;
	v6 =	vld [tilespmem:s22+$0x0]  }
0x8d: {  	s2 =	sadd.s32 s6, s19  }
0x8e: {  	v7 =	vld [tilespmem:s2+$0x0];
	_ =	sdelay $0x2  }
0x8f: {  	vm4 =	vlt.s32 v6, v5  }
0x90: {  	v5 =	vsel vm4, v6, v5  }
0x91: {  	vm4 =	vne.s32 v7, $0xFFFFFFFF;
	v5 =	vxor.u32 $0x80000000, v5  }
0x92: {  	(xrf0) =	vmin.seg.scan.u32 vm4, v5  }
0x93: {  	s6 =	sadd.s32 $0x5EC0, s0  }
0x94: {  	v8 =	vld [tilespmem:s6+$0x0]  }
0x95: {  	v6 =	vld [tilespmem:$0xA0];
	_ =	sdelay $0x2  }
0x96: {  	v5 =	vperm.xlane v4, v1;
	v9, _, _ =	vpop (xrf0)  }
0x97: {  	vm6 =	veq.s32 v7, v3;
	v9 =	vxor.u32 $0x80000000, v9  }
0x98: {  	vm8 =	veq.s32 v7, v5;
	vm5 =	veq.s32 v6, $0x1;
	vm7 =	vlt.s32 v9, v8  }
0x99: {  	vm8 =	vmor vm8, vm6;
	v6 =	vsel vm7, v9, v8;
	vm7 =	vgt.u32 v7, $0xFFFFFFFD  }
0x9a: {  	v10 =	vld [tilespmem:$0x90];
	vm9 =	vmand vm4, vm3;
	vm4 =	vmor vm5, vm6;
	vm5 =	vmor vm8, vm7  }
0x9b: {  	v8 =	vsel vm5, $0xFFFFFFFF, v7;
	_ =	sdelay $0x1  }
0x9c: {  	s31 =	simm.s32 $0x0  }
0x9d: {  	s30 =	sadd.s32 $0xDBC0, s0;
	s0 =	sadd.s32 $0x10, s22;
	s2 =	sadd.s32 $0x10, s2;
	v11 =	vsel vm9, $0x7FFFFFFF, v9;
	v6 =	vsel vm6, v9, v6  }
0x9e: {  	s22 =	sadd.s32 $0x10, s30;
	s6 =	sadd.s32 $0x10, s6;
	[tilespmem:s30+$0x0] =	vst v6;
	v6 =	vsel vm6, v9, v10;
	v7 =	vshift.insert v11, v0, s21;
	(ifvalue) =	ssetifvalue $0xFFFFFFFF  }
.LBB2_7:
0x9f: {  	[hbm4b:s1+s16] =	stream.indirect_vreg.scatter [tilespmem:s30], [sflag:$0x2], $0x1, v8, vm0, $0x4038;
	[tilespmem:$0x11A60] =	vst v63  }
0xa0: {  	s31 =	sadd.s32 $0x10, s31;
	s30 =	smov.u32 s22;
	v8 =	vld [tilespmem:s0+$0x0]  }
0xa1: {  	p2 =	slt.u32 s31, $0x1F30  }
0xa2: {  	v9 =	vld [tilespmem:s2+$0x0];
	_ =	sdelay $0x2  }
0xa3: {  	vm5 =	vlt.s32 v8, v7  }
0xa4: {  	v7 =	vsel vm5, v8, v7  }
0xa5: {  	vm5 =	vne.s32 v9, $0xFFFFFFFF;
	v7 =	vxor.u32 $0x80000000, v7  }
0xa6: {  	(xrf0) =	vmin.seg.scan.u32 vm5, v7;
	_ =	sdelay $0x2  }
0xa7: {  	v7 =	vld [tilespmem:s6+$0x0];
	_ =	sdelay $0x1  }
0xa8: {  	vm6 =	veq.s32 v9, v3;
	vm7 =	veq.s32 v9, v5  }
0xa9: {  	vm8 =	vgt.u32 v9, $0xFFFFFFFD;
	vm4 =	vmor vm4, vm6;
	vm7 =	vmor vm7, vm6;
	v8, _, _ =	vpop (xrf0)  }
0xaa: {  	vm5 =	vmand vm5, vm3;
	vm7 =	vmor vm7, vm8;
	v10 =	vxor.u32 $0x80000000, v8  }
.Ltmp5:
0xab: {  	v8 =	vsel vm7, $0xFFFFFFFF, v9;
	vm7 =	vlt.s32 v10, v7;
	v9 =	vsel vm5, $0x7FFFFFFF, v10;
	(pc) =	sbr.rel @p2 .LBB2_7-.Ltmp5, $4  }
0xac: {  	v6 =	vsel vm6, v10, v6;
	v11 =	vsel vm7, v10, v7;
	v7 =	vshift.insert v9, v0, s21  }
0xad: {  	v9 =	vsel vm6, v10, v11  }
0xae: {  	s0 =	sadd.s32 $0x10, s0;
	s2 =	sadd.s32 $0x10, s2;
	[tilespmem:s22+$0x0] =	vst v9  }
0xaf: {  	s6 =	sadd.s32 $0x10, s6;
	s22 =	sadd.s32 $0x10, s22;
	(ifvalue) =	ssetifvalue $0xFFFFFFFF  }
0xb0: {  	_ =	sdelay $0x3  }
0xb1: {  	[hbm4b:s1+s16] =	stream.indirect_vreg.scatter [tilespmem:s30], [sflag:$0x2], $0x1, v8, vm0, $0x4038;
	[tilespmem:$0x11A60] =	vst v63  }
0xb2: {  	v3 =	vld [tilespmem:s29+$0xFAF0];
	_ =	sdelay $0x4  }
0xb3: {  	v3 =	vshift.insert v3, v1, s21  }
0xb4: {  	s0 =	simm.s32 $0x30  }
0xb5: {  	[tilespmem:s0+$0x0] =	vst.msk $0x1, v3  }
0xb6: {  	v3 =	vsel vm4, $0x1, v1;
	[tilespmem:$0x90] =	vst v6  }
0xb7: {  	s0 =	sadd.s32 @!p1 $0xFAFF, s29;
	[tilespmem:$0xA0] =	vst v3  }
0xb8: {  	[spmem:s14] =	stream.linear.scatter @!p1 [tilespmem:s0], [sflag:$0x1], $0x1, $0x38;
	[tilespmem:$0x11A60] =	vst v63  }
0xb9: {  	s0 =	simm.s32 @!p1 $0x1  }
0xba: {  	v3 =	vmctz.xlane @!p1 vm4;
	_ =	swait.ge @!p1 [sflag:s0], $0x1  }
0xbb: {  	(v2sf) =	vpush @!p1 v4, $0x0  }
0xbc: {  	(v2sf) =	vpush @!p1 v3, $0x0;
	_ =	sdelay $0xd  }
0xbd: {  	s2 =	spop @!p1 (v2sf)  }
0xbe: {  	s6 =	spop @!p1 (v2sf)  }
0xbf: {  	p2 =	sne.s32 @!p1 s28, s2;
	p3 =	slt.s32 @!p1 s6, $0xF  }
0xc0: {  	[sflag:s0] =	ssyncset.done @!p1 $0x0;
	p2 =	por p2, p1;
	p3 =	por !p3, p1  }
0xc1: {  	[sflag:s0] =	ssyncadd.s32 @!p1 $0xFFFFFFFF;
	v3 =	vimm.s32 @!p2 $0xFFFFFFFF;
	s6 =	simm.s32 @p3 $0xF  }
0xc2: {  	[tilespmem:$0x80] =	vst @!p2 v3;
	s2 =	sadd.s32 @!p1 $0x90, s6  }
0xc3: {  	[spmem:s10] =	stream.linear.scatter @!p1 [tilespmem:s2], [sflag:$0x1], $0x1, $0x38;
	[tilespmem:$0x11A60] =	vst v63  }
0xc4: {  	_ =	swait.ge @!p1 [sflag:s0], $0x1  }
0xc5: {  	[sflag:s0] =	ssyncset.done @!p1 $0x0  }
0xc6: {  	s2 =	simm.s32 @!p1 $0x80;
	[sflag:s0] =	ssyncadd.s32 @!p1 $0xFFFFFFFF  }
0xc7: {  	[spmem:s15] =	stream.linear.scatter @!p1 [tilespmem:s2], [sflag:$0x1], $0x1, $0x38;
	[tilespmem:$0x11A60] =	vst v63  }
0xc8: {  	_ =	swait.ge @!p1 [sflag:s0], $0x1  }
0xc9: {  	[sflag:s0] =	ssyncset.done @!p1 $0x0  }
0xca: {  	[sflag:s0] =	ssyncadd.s32 @!p1 $0xFFFFFFFF;
	(ifvalue) =	ssetifvalue $0xFFFFFFFF;
	v3 =	vld [tilespmem:s25+$0x10];
	_ =	sdelay $0x3  }
.Ltmp6:
0xcb: {  	_ = 	snop;
	(pc) =	sbr.rel .LBB2_9-.Ltmp6, $3  }
0xcc: {  	_ =	sdelay $0x1  }
0xcd: {  	(ifvalue) =	ssetifvalue $0xFFFFFFFF  }
0xce: {  	[hbm4b:s1+s16] =	stream.indirect_vreg.scatter [tilespmem:s26], [sflag:$0x9], $0x1, v3, vm0, $0x4038;
	[tilespmem:$0x11A60] =	vst v63  }
.LBB2_10:
0xcf: {  	_ =	sfence.sel $0x180000  }
0xd0: {  	s0 =	simm.s32 $0x7;
	[bflag:$0x0] =	sbarrier.arrive $0xFFFF  }
0xd1: {  	s26 =	simm.s32 $0x8;
	[sflag:s0] =	ssyncpa.u1 $0x1  }
0xd2: {  	s28 =	simm.s32 $0x9;
	[sflag:s26] =	ssyncpa.u1 $0x1  }
0xd3: {  	[sflag:s28] =	ssyncpa.u1 $0x1  }
0xd4: {  	_ =	sfence.stream.spmem  }
0xd5: {  	s29 =	simm.s32 $0x3;
	[bflag:$0x0] =	sbarrier.arrive $0xFFFF  }
0xd6: {  	s30 =	simm.s32 $0x4;
	[sflag:s29] =	ssyncpa.u1 $0x1  }
0xd7: {  	s31 =	simm.s32 $0x3C;
	s2 =	stileid.u32;
	[sflag:s30] =	ssyncpa.u1 $0x1  }
0xd8: {  	p0 =	sne.s32 s2, $0x0;
	[sflag:s31] =	ssyncpa.u1 $0x1  }
0xd9: {  	s0 =	simm.s32 @p0 $0x1;
	_ =	sfence @p0  }
0xda: {  	[sflag:s0] =	ssyncpa.u1 @p0 $0x1;
	s0 =	simm.s32 @p0 $0x2  }
0xdb: {  	[sflag:s0] =	ssyncpa.u1 @p0 $0x1  }
0xdc: {  	_ =	strace @p0 $0x90000047  }
0xdd: {  	[bflag:$0x2] =	sbarrier.arrive @p0 $0xFFFF  }
0xde: {  	_ =	shalt @p0  }
.LBB2_11:
0xdf: {  	_ =	sfence.stream.spmem;
	s0 =	simm.s32 $0x5  }
0xe0: {  	s2 =	simm.s32 $0x80;
	s3 =	simm.s32 $0xC0;
	[sflag:s0] =	ssyncpa.u1 $0x0  }
0xe1: {  	[tilespmem:s3], [sflag:$0x5] =	stream.linear.gather [spmem:s2], $0x20, $0x38;
	[tilespmem:$0x11A60] =	vst v63  }
0xe2: {  	s30 =	simm.s32 $0xE0;
	s2 =	simm.s32 $0x0  }
0xe3: {  	[tilespmem:s30], [sflag:$0x5] =	stream.linear.gather [spmem:s2], $0x20, $0x38;
	[tilespmem:$0x11A60] =	vst v63  }
.Ltmp7:
0xe4: {  	_ = 	snop;
	(pc) =	sbr.rel .LBB2_12-.Ltmp7, $4  }
0xe5: {  	_ =	swait.ge [sflag:s0], $0x40  }
0xe6: {  	[sflag:s0] =	ssyncset.done $0x0  }
0xe7: {  	s31 =	simm.s32 $0x6;
	[sflag:s0] =	ssyncadd.s32 $0xFFFFFFC0  }
0xe8: {  	s3 =	simm.s32 $0x0;
	[sflag:s31] =	ssyncpa.u1 $0x0  }
.LBB2_17:
0xe9: {  	p0 =	sgt.u32 s4, $0x5103FF  }
0xea: {  	s0 =	sshrl.u32 @!p0 s4, $0x3  }
0xeb: {  	s4 =	sand.u32 @!p0 $0x7, s4;
	s5 =	simm.s32 @!p0 $0xB0;
	s0 =	sadd.s32 @!p0 s1, s0  }
0xec: {  	[tilespmem:s5], [sflag:$0x6] =	stream.linear.gather @!p0 [hbm4b:s0+s4], $0x1, $0x38;
	[tilespmem:$0x11A60] =	vst v63  }
0xed: {  	s0 =	simm.s32 @!p0 $0x6  }
0xee: {  	_ =	swait.ge @!p0 [sflag:s0], $0x1  }
0xef: {  	[sflag:s0] =	ssyncset.done @!p0 $0x0  }
0xf0: {  	[sflag:s0] =	ssyncadd.s32 @!p0 $0xFFFFFFFF  }
0xf1: {  	v1 =	vld.msk @!p0 [tilespmem:$0xB0], $0x1  }
0xf2: {  	v2 =	vld.msk @!p0 [tilespmem:s3+$0xE0], $0x1;
	_ =	sdelay $0x4  }
0xf3: {  	vm0 =	vlt.s32 @!p0 v2, v1  }
0xf4: {  	v1 =	vsel @!p0 vm0, v2, v1  }
0xf5: {  	[tilespmem:s3+$0xE0] =	vst.msk @!p0 $0x1, v1  }
0xf6: {  	[tilespmem:s2+$0xC0] =	vst.msk $0x1, v0  }
0xf7: {  	v0 =	vld.msk [tilespmem:s3+$0xE0], $0x1;
	_ =	sdelay $0x4  }
0xf8: {  	[tilespmem:s2+$0xE0] =	vst.msk $0x1, v0;
	s2 =	sadd.s32 $0x1, s2  }
.LBB2_19:
0xf9: {  	s3 =	sadd.s32 $0x1, s3  }
0xfa: {  	p0 =	sne.s32 s3, $0x20  }
.Ltmp8:
0xfb: {  	_ = 	snop;
	(pc) =	sbr.rel @!p0 .LBB2_20-.Ltmp8, $1  }
0xfc: {  	_ =	sdelay $0x3  }
.LBB2_12:
0xfd: {  	v0 =	vld.msk [tilespmem:s3+$0xC0], $0x1;
	_ =	sdelay $0x4  }
0xfe: {  	(v2sf) =	vpush v0, $0x0;
	_ =	sdelay $0xe  }
0xff: {  	s4 =	spop (v2sf)  }
0x100: {  	p0 =	seq.s32 s4, $0xFFFFFFFF  }
.Ltmp9:
0x101: {  	_ = 	snop;
	(pc) =	sbr.rel @p0 .LBB2_19-.Ltmp9, $1  }
0x102: {  	_ =	sdelay $0x3  }
0x103: {  	p0 =	slt.s32 s2, $0x1  }
.Ltmp10:
0x104: {  	_ = 	snop;
	(pc) =	sbr.rel @p0 .LBB2_17-.Ltmp10, $1  }
0x105: {  	_ =	sdelay $0x3  }
0x106: {  	s0 =	simm.s32 $0xC0;
	p0 =	por $0x0, $0x0  }
0x107: {  	v1 =	vld.msk @!p0 [tilespmem:s0+$0x0], $0x1;
	_ =	sdelay $0x4  }
0x108: {  	(v2sf) =	vpush @!p0 v1, $0x0;
	_ =	sdelay $0xd  }
0x109: {  	p2 =	sne.s32 s2, $0x1  }
.Ltmp11:
0x10a: {  	s5 =	spop @!p0 (v2sf);
	(pc) =	sbr.rel @!p2 .LBB2_16-.Ltmp11, $4  }
0x10b: {  	p1 =	seq.s32 @!p0 s4, s5  }
0x10c: {  	s5 =	simm.s32 $0x0;
	p1 =	por !p1, p0  }
0x10d: {  	s7 =	simm.s32 $0xFFFFFFFF;
	s5 =	simm.s32 @p1 $0xFFFFFFFF  }
0x10e: {  	s6 =	simm.s32 $0x1;
	s5 =	smov.u32 @p0 s7  }
.LBB2_15:
0x10f: {  	s7 =	smov.u32 s5;
	p0 =	sne.s32 s5, $0xFFFFFFFF  }
0x110: {  	s0 =	sadd.s32 $0x1, s0;
	s5 =	smov.u32 s6;
	s6 =	sadd.s32 $0x1, s6  }
0x111: {  	p1 =	sne.s32 s2, s6;
	v1 =	vld.msk @!p0 [tilespmem:s0+$0x0], $0x1;
	_ =	sdelay $0x4  }
0x112: {  	(v2sf) =	vpush @!p0 v1, $0x0;
	_ =	sdelay $0xe  }
.Ltmp12:
0x113: {  	s8 =	spop @!p0 (v2sf);
	(pc) =	sbr.rel @p1 .LBB2_15-.Ltmp12, $4  }
0x114: {  	p2 =	seq.s32 @!p0 s4, s8  }
0x115: {  	p2 =	por !p2, p0  }
0x116: {  	s5 =	simm.s32 @p2 $0xFFFFFFFF  }
0x117: {  	s5 =	smov.u32 @p0 s7  }
.LBB2_16:
0x118: {  	p0 =	sne.s32 s5, $0xFFFFFFFF  }
.Ltmp13:
0x119: {  	_ = 	snop;
	(pc) =	sbr.rel @!p0 .LBB2_17-.Ltmp13, $1  }
0x11a: {  	_ =	sdelay $0x3  }
0x11b: {  	v0 =	vld.msk [tilespmem:s3+$0xE0], $0x1  }
0x11c: {  	v1 =	vld.msk [tilespmem:s5+$0xE0], $0x1;
	_ =	sdelay $0x2  }
.Ltmp14:
0x11d: {  	_ = 	snop;
	(pc) =	sbr.rel .LBB2_19-.Ltmp14, $4  }
0x11e: {  	_ = 	snop  }
0x11f: {  	vm0 =	vlt.s32 v1, v0  }
0x120: {  	v0 =	vsel vm0, v1, v0  }
0x121: {  	[tilespmem:s5+$0xE0] =	vst.msk $0x1, v0  }
.LBB2_20:
0x122: {  	p0 =	slt.s32 s2, $0x1  }
.Ltmp15:
0x123: {  	_ = 	snop;
	(pc) =	sbr.rel @p0 .LBB2_24-.Ltmp15, $3  }
0x124: {  	_ =	sdelay $0x1  }
0x125: {  	s0 =	simm.s32 $0x6  }
0x126: {  	s3 =	simm.s32 $0x0;
	[sflag:s0] =	ssyncpa.u1 $0x1  }
0x127: {  	s0 =	simm.s32 $0xC0  }
0x128: {  	v0 =	vld.msk [tilespmem:s0+$0x0], $0x1;
	_ =	sdelay $0x4  }
0x129: {  	(v2sf) =	vpush v0, $0x0;
	_ =	sdelay $0xe  }
0x12a: {  	s2 =	sadd.s32 $0xFFFFFFFF, s2;
	s4 =	spop (v2sf)  }
0x12b: {  	p1 =	sne.s32 s2, $0x0;
	p0 =	sgt.u32 s4, $0x5103FF  }
.Ltmp16:
0x12c: {  	s5 =	sshrl.u32 @!p0 s4, $0x3;
	(pc) =	sbr.rel @!p1 .LBB2_23-.Ltmp16, $4  }
0x12d: {  	s0 =	simm.s32 $0xE0;
	s4 =	sand.u32 @!p0 $0x7, s4;
	s5 =	sadd.s32 @!p0 s1, s5  }
0x12e: {  	[hbm4b:s5+s4] =	stream.linear.scatter @!p0 [tilespmem:s0], [sflag:$0x5], $0x1, $0x38;
	[tilespmem:$0x11A60] =	vst v63  }
0x12f: {  	s5 =	simm.s32 $0x0  }
0x130: {  	s4 =	simm.s32 $0xC1;
	s5 =	simm.s32 @!p0 $0x4  }
.LBB2_22:
0x131: {  	v0 =	vld.msk [tilespmem:s4+$0x0], $0x1;
	s2 =	sadd.s32 $0xFFFFFFFF, s2;
	s3 =	sadd.s32 s3, s5  }
0x132: {  	p0 =	sne.s32 s2, $0x0;
	_ =	sdelay $0x3  }
0x133: {  	(v2sf) =	vpush v0, $0x0;
	_ =	sdelay $0xe  }
.Ltmp17:
0x134: {  	s6 =	spop (v2sf);
	(pc) =	sbr.rel @p0 .LBB2_22-.Ltmp17, $4  }
0x135: {  	s5 =	simm.s32 $0x0;
	p1 =	sgt.u32 s6, $0x5103FF  }
0x136: {  	s0 =	sadd.s32 $0x1, s0;
	s5 =	simm.s32 @!p1 $0x4;
	s7 =	sshrl.u32 @!p1 s6, $0x3  }
0x137: {  	s4 =	sadd.s32 $0x1, s4;
	s6 =	sand.u32 @!p1 $0x7, s6;
	s7 =	sadd.s32 @!p1 s1, s7  }
0x138: {  	[hbm4b:s7+s6] =	stream.linear.scatter @!p1 [tilespmem:s0], [sflag:$0x5], $0x1, $0x38;
	[tilespmem:$0x11A60] =	vst v63  }
.LBB2_23:
0x139: {  	s0 =	sadd.s32 s3, s5  }
0x13a: {  	s3 =	sshrl.u32 s0, $0x2  }
.LBB2_24:
0x13b: {  	s0 =	simm.s32 $0x5  }
0x13c: {  	_ =	swait.ge [sflag:s0], s3  }
0x13d: {  	s1 =	ssub.s32 $0x0, s3;
	[sflag:s0] =	ssyncset.done $0x0  }
0x13e: {  	[sflag:s0] =	ssyncadd.s32 s1  }
0x13f: {  	[sflag:s0] =	ssyncpa.u1 $0x1  }
0x140: {  	s29 =	simm.s32 $0x1;
	_ =	sfence  }
0x141: {  	s30 =	simm.s32 $0x2;
	[sflag:s29] =	ssyncpa.u1 $0x1  }
0x142: {  	[sflag:s30] =	ssyncpa.u1 $0x1  }
0x143: {  	_ =	strace $0x90000047  }
0x144: {  	[bflag:$0x2] =	sbarrier.arrive $0xFFFF  }
0x145: {  	s31 =	rddreg [dreg:$0x1]  }
0x146: {  	s0 =	sadd.s32 $0x100000, s31  }
0x147: {  	[sflag:s0] =	ssyncadd.tile.s32 $0x1;
	_ =	shalt  }
.Lfunc_end2:
_tile_overlayer_lowered:
.L_overlay_start_2:
0x148: {  	(tag) =	ssettag $0x2  }
0x149: {  	s0 =	rddreg [dreg:$0x0];
	s2 =	stileid.u32  }
0x14a: {  	s1 =	rddreg [dreg:$0x1];
	p0 =	sne.s32 s2, $0x0  }
0x14b: {  	s3 =	rddreg [dreg:$0x2];
	[bflag:$0x3] =	sbarrier.arrive $0xFFFF;
	s2 =	simm.s32 @!p0 $0x1C01  }
0x14c: {  	[timem:s3], [sflag:s2] =	dma.local @!p0 [hbm:s0], s1  }
0x14d: {  	s0 =	simm.s32 @!p0 $0x1  }
0x14e: {  	_ =	swait.ge @!p0 [sflag:s0], s1  }
0x14f: {  	s1 =	ssub.s32 @!p0 $0x0, s1;
	[sflag:s0] =	ssyncset.done @!p0 $0x0  }
0x150: {  	[sflag:s0] =	ssyncadd.s32 @!p0 s1  }
0x151: {  	[bflag:$0x3] =	sbarrier.arrive $0xFFFF  }
0x152: {  	_ =	shalt  }

// kernel: sparse-core-data-format-call.cloned.1.call-start
scs
called_computation.1_lowered:
.L_overlay_start_0:
0x0: {  	s2 =	sld [smem:$0x3FD9]  }
0x1: {  	s3 =	sld [smem:$0x3FFE];
	_ =	sdelay $0x1  }
0x2: {  	s1 =	srdreg.scid  }
0x3: {  	s0 =	sand.u32 $0x1, s1  }
0x4: {  	s18 =	sshll.u32 s0, $0xA;
	s2 =	sadd.s32 s3, s2  }
0x5: {  	s2 =	sadd.s32 s2, s18  }
0x6: {  	[smem:$0x3FC5] =	sst s2  }
0x7: {  	_ = 	snop  }
0x8: {  	s2 =	sld [smem:$0x3FD0];
	(tm) =	ssettm $0x1  }
0x9: {  	s19 =	sld [smem:$0x3FFB];
	_ =	sdelay $0x3  }
0xa: {  	_ =	strace s19  }
0xb: {  	s3 =	sld [smem:$0x3FFC];
	_ =	sdelay $0x3  }
0xc: {  	_ =	strace s3  }
0xd: {  	s3 =	sld [smem:$0x3FFD];
	_ =	sdelay $0x3  }
0xe: {  	_ =	strace s3  }
0xf: {  	_ =	strace $0x8FFFFFFF  }
0x10: {  	s20 =	sld [smem:$0x3FDB];
	_ =	sdelay $0x1  }
0x11: {  	s4 =	simm.s32 $_scs_section_size  }
0x12: {  	s5 =	simm.s32 $_size__tile_overlayer_lowered;
	s6 =	simm.s32 $_tile_overlayer_lowered  }
0x13: {  	s23 =	simm.s32 $0x1BFF;
	s22 =	sshll.u32 s6, $0x1;
	s3 =	sadd.s32 s4, s20  }
0x14: {  	s7 =	simm.s32 $0x0;
	s21 =	sshll.u32 s5, $0x1;
	s5 =	sadd.s32 s22, s3  }
0x15: {  	[timem:s7], [sflag:s23] =	dma.local [hbm:s5], s21  }
0x16: {  	_ =	swait.ge [sflag:s23], s21  }
0x17: {  	s4 =	ssub.s32 $0x0, s21;
	[sflag:s23] =	ssyncset.done $0x0  }
0x18: {  	[sflag:s23] =	ssyncadd.s32 s4;
	_ =	sdelay $0x1  }
0x19: {  	s24 =	simm.s32 $0x1B8B  }
0x1a: {  	_ =	swait.ge [sflag:s24], $0x1  }
0x1b: {  	[sflag:s24] =	ssyncset.done $0x0  }
0x1c: {  	s26 =	simm.s32 $0x1B8E;
	s25 =	sld [smem:$0x3FFE];
	[sflag:s24] =	ssyncadd.s32 $0xFFFFFFFF  }
0x1d: {  	s27 =	simm.s32 $execute0_lowered;
	[smem:$0x3FD2] =	sst s26  }
0x1e: {  	s5 =	sshll.u32 s27, $0x1;
	_ =	strace $0x8000004C;
	[dreg:$0x1] =	wrdreg $0xFFFFFFFF  }
0x1f: {  	s28 =	simm.s32 $_size_execute0_lowered;
	s3 =	sadd.s32 s3, s5;
	[dreg:$0x0] =	wrdreg $0x0  }
0x20: {  	s5 =	sshll.u32 s28, $0x1;
	[dreg:$0x2] =	wrdreg s3  }
0x21: {  	[dreg:$0x3] =	wrdreg s5  }
0x22: {  	[dreg:$0x4] =	wrdreg $0xC0  }
0x23: {  	_ =	task [dreg:s7], $0x5FFFF  }
0x24: {  	[dreg:$0x1] =	wrdreg $0xFFFFFFFF  }
0x25: {  	[dreg:$0x0] =	wrdreg $0x60  }
0x26: {  	[dreg:$0x2] =	wrdreg s25  }
0x27: {  	[dreg:$0x3] =	wrdreg s2  }
0x28: {  	[dreg:$0x4] =	wrdreg $0x9  }
0x29: {  	_ =	task.clear_ibuf [dreg:s7], $0x5FFFF;
	_ =	strace $0x9000004C  }
0x2a: {  	s29 =	simm.s32 $0x9;
	_ =	strace $0x8000004E  }
0x2b: {  	_ =	swait.ge [sflag:s29], $0x1  }
0x2c: {  	[sflag:s29] =	ssyncadd.s32 $0xFFFFFFFF  }
0x2d: {  	_ =	strace $0x9000004E  }
0x2e: {  	_ =	sfence  }
0x2f: {  	s30 =	sld [smem:$0x0];
	_ =	sdelay $0x2  }
0x30: {  	s31 =	sshll.u32 s1, $0xD;
	s1 =	sshrl.u32 s1, $0x2  }
0x31: {  	s3 =	sand.u32 $0x4000, s31;
	s1 =	sadd.s32 s1, s30  }
0x32: {  	s0 =	sor.u32 s3, s0;
	s1 =	sshll.u32 s1, $0x11  }
0x33: {  	s0 =	sor.u32 s1, s0  }
0x34: {  	s0 =	sadd.s32 $0x8F2B, s0  }
0x35: {  	[sflag:s0] =	ssyncadd.remote.s32 $0x1  }
0x36: {  	_ =	sfence.sel $0xFFFF  }
0x37: {  	[dreg:$0x0] =	wrdreg $0xFFFFFFFF;
	(pc) =	sbr.abs _section_cstart, $3  }
0x38: {  	[dreg:$0x1] =	wrdreg $0xFFFFFFFF  }
0x39: {  	_ =	task.clear_ibuf [dreg:s7], $0x2FFFF;
	_ =	strace $0x9FFFFFFF  }
0x3a: {  	(tm) =	ssettm $0x7FFFFFFF  }
0x3b: {  	_ =	shalt  }
tec
execute0_lowered:
.L_overlay_start_1:
0x0: {  	(tag) =	ssettag $0x1  }
0x1: {  	s0 =	srdreg.scid;
	s2 =	rddreg [dreg:$0x0]  }
0x2: {  	s3 =	rddreg [dreg:$0x1];
	s5 =	simm.s32 $0x1;
	s1 =	sshll.u32 s0, $0x4  }
0x3: {  	s7 =	simm.s32 $0x2;
	s0 =	stileid.u32;
	s1 =	sand.u32 $0x10, s1  }
.Ltmp0:
0x4: {  	s11 =	simm.s32 $0x0;
	s4 =	sor.u32 s0, s1;
	(pc) =	sbr.rel .LBB1_1-.Ltmp0, $4  }
0x5: {  	p0 =	por $0x0, $0x0;
	s8 =	simm.s32 $0x186C00;
	s4 =	sshll.u32 s4, $0x7  }
0x6: {  	s1 =	rddreg [dreg:$0x2];
	_ =	strace $0x8000004D;
	s6 =	ssub.s32 $0x30D00, s4  }
0x7: {  	s10 =	simm.s32 $0x0;
	[sflag:s5] =	ssyncpa.u1 $0x0;
	s6 =	sshrl.u32 s6, $0xC  }
0x8: {  	[sflag:s7] =	ssyncpa.u1 $0x0;
	s9 =	smov.u32 s4;
	s7 =	sadd.s32 $0x2, s6  }
.LBB1_5:
0x9: {  	s13 =	sadd.s32 $0x1000, s9  }
0xa: {  	p2 =	sgt.s32 s13, $0x30D3F  }
0xb: {  	s13 =	smov.u32 @p2 s4;
	p2 =	sne.s32 s10, s7  }
.Ltmp1:
0xc: {  	p1 =	slt.u32 s10, $0x2;
	(pc) =	sbr.rel @!p2 .LBB1_6-.Ltmp1, $4  }
0xd: {  	s12 =	simm.s32 @!p1 $0x2  }
0xe: {  	s14 =	sadd.s32 $0x1, s10;
	_ =	swait.ge @!p1 [sflag:s12], $0x2000  }
0xf: {  	s11 =	smov.u32 s9;
	p0 =	por !p0, !p0;
	[sflag:s12] =	ssyncset.done @!p1 $0x0  }
0x10: {  	s10 =	smov.u32 s14;
	s9 =	smov.u32 s13;
	[sflag:s12] =	ssyncadd.s32 @!p1 $0xFFFFE000  }
.LBB1_1:
0x11: {  	p1 =	sgt.u32 s10, s6  }
0x12: {  	s13 =	smov.u32 s9;
	p2 =	sgt.s32 @!p1 s9, $0x30CC0  }
0x13: {  	s12 =	sand.u32 @!p1 $0x1FFFFFF, s9;
	s14 =	sshra.s32 @!p1 s9, $0x1F;
	p2 =	por !p2, p1  }
0x14: {  	s15 =	smulhi.u32 @!p1 $0x14F8B59, s12;
	s14 =	sand.u32 @!p1 s14, s9;
	s13 =	simm.s32 @p2 $0x30CC0  }
0x15: {  	s13 =	ssub.s32 @!p1 s13, s14  }
0x16: {  	s14 =	sshrl.u32 @!p1 s15, $0xA;
	s13 =	sadd.s32 @!p1 $0xFFFCF340, s13  }
0x17: {  	s15 =	sxor.u32 @!p1 $0xFFFFFFFF, s10;
	s14 =	smul.u32 @!p1 $0x30D40, s14;
	s16 =	sshll.u32 @!p1 s13, $0x8  }
0x18: {  	s15 =	sshll.u32 @!p1 s15, $0xD;
	p2 =	sgt.s32 @!p1 s13, $0x7F;
	s13 =	ssub.s32 @!p1 $0x8000, s16  }
0x19: {  	s12 =	ssub.s32 @!p1 s12, s14;
	p2 =	por !p2, p1;
	s14 =	sand.u32 @!p1 $0x2000, s15  }
0x1a: {  	s15 =	simm.s32 @!p1 $0x40;
	s13 =	sshrl.u32 @!p1 s13, $0x2;
	s12 =	sshll.u32 @!p1 s12, $0x4  }
0x1b: {  	s16 =	simm.s32 @!p1 $0x80;
	s13 =	simm.s32 @!p2 $0x0;
	s12 =	sadd.s32 @!p1 s2, s12  }
0x1c: {  	[tilespmem:s14], [sflag:$0x1] =	stream.strided.gather @!p1 [hbm4b:s12+s15], s13, s16, s15, $0x38;
	[tilespmem:$0x8080] =	vst v63  }
0x1d: {  	p1 =	seq.s32 s10, $0x0  }
0x1e: {  	p2 =	sge.u32 @!p1 s10, s7  }
0x1f: {  	p1 =	por p1, p2  }
.Ltmp2:
0x20: {  	_ = 	snop;
	(pc) =	sbr.rel @p1 .LBB1_5-.Ltmp2, $1  }
0x21: {  	_ =	sdelay $0x3  }
0x22: {  	p1 =	sgt.s32 s11, $0x30CC0;
	s12 =	smov.u32 s11;
	s13 =	sshra.s32 s11, $0x1F  }
0x23: {  	s12 =	simm.s32 @!p1 $0x30CC0;
	s13 =	sand.u32 s13, s11  }
0x24: {  	s12 =	ssub.s32 s12, s13  }
0x25: {  	s12 =	sadd.s32 $0xFFFCF340, s12  }
0x26: {  	s28 =	sshll.u32 s12, $0x8  }
0x27: {  	s13 =	ssub.s32 $0x8000, s28  }
0x28: {  	p1 =	sgt.s32 s12, $0x7F;
	s12 =	sshrl.u32 s13, $0x2  }
0x29: {  	s13 =	simm.s32 $0x1;
	s12 =	simm.s32 @p1 $0x0  }
0x2a: {  	s13 =	simm.s32 @!p0 $0x0;
	_ =	swait.ge [sflag:s5], s12  }
0x2b: {  	s14 =	sshll.u32 s13, $0xD;
	s12 =	ssub.s32 $0x0, s12;
	[sflag:s5] =	ssyncset.done $0x0  }
0x2c: {  	s16 =	sor.u32 $0x20, s14;
	[sflag:s5] =	ssyncadd.s32 s12  }
0x2d: {  	s29 =	smul.u32 $0x8100, s13;
	v3 =	vld [tilespmem:s16+$0x10]  }
0x2e: {  	s30 =	sand.u32 $0x1, s10;
	v2 =	vld [tilespmem:s16+$0xFFFFFFF0]  }
0x2f: {  	s13 =	smul.u32 $0x8100, s30;
	s12 =	sshrl.u32 s29, $0x2;
	v0 =	vld [tilespmem:s16+$0x0]  }
0x30: {  	s14 =	sor.u32 $0x4000, s12;
	v1 =	vld [tilespmem:s16+$0xFFFFFFE0]  }
0x31: {  	s31 =	sshrl.u32 s13, $0x2;
	s13 =	sadd.s32 $0x0, s14  }
0x32: {  	s15 =	simm.s32 $0x4;
	s12 =	sor.u32 $0x4000, s31;
	s16 =	sadd.s32 $0x40, s16;
	[tilespmem:s13+$0x1830 ss:$0x81] =	vst.msk $0xffff, v3  }
.LBB1_3:
0x33: {  	v3 =	vld [tilespmem:s16+$0x10];
	p1 =	sne.s32 s15, $0x1FC;
	[tilespmem:s13+$0x810 ss:$0x81] =	vst.msk $0xffff, v2;
	s17 =	smov.u32 s15;
	s15 =	sadd.s32 $0x4, s15  }
.Ltmp3:
0x34: {  	v2 =	vld [tilespmem:s16+$0xFFFFFFF0];
	[tilespmem:s13+$0x1020 ss:$0x81] =	vst.msk $0xffff, v0;
	(pc) =	sbr.rel @p1 .LBB1_3-.Ltmp3, $4  }
0x35: {  	v0 =	vld [tilespmem:s16+$0x0];
	[tilespmem:s13+$0x0 ss:$0x81] =	vst.msk $0xffff, v1  }
0x36: {  	s13 =	sshra.s32 s17, $0x2;
	v1 =	vld [tilespmem:s16+$0xFFFFFFE0]  }
0x37: {  	s13 =	sadd.s32 s13, s14  }
0x38: {  	s16 =	sadd.s32 $0x40, s16;
	[tilespmem:s13+$0x1830 ss:$0x81] =	vst.msk $0xffff, v3  }
0x39: {  	s14 =	sshll.u32 s11, $0x3  }
0x3a: {  	s14 =	sand.u32 $0xFFFFFC00, s14  }
0x3b: {  	s15 =	sshrl.u32 s14, $0x7  }
0x3c: {  	s15 =	smulhi.u32 $0xA7B7EF, s15;
	_ =	sdelay $0x1  }
0x3d: {  	s15 =	sshrl.u32 s15, $0x2  }
0x3e: {  	s28 =	sand.u32 $0x7F, s11;
	s16 =	smul.u32 $0x30D80, s15  }
0x3f: {  	s11 =	sor.u32 s28, s14  }
.Ltmp4:
0x40: {  	s29 =	sand.u32 $0x3F, s15;
	s11 =	ssub.s32 s11, s16;
	(pc) =	sbr.rel .LBB1_5-.Ltmp4, $4  }
0x41: {  	[tilespmem:s13+$0x810 ss:$0x81] =	vst.msk $0xffff, v2;
	s14 =	smul.u32 $0x61B0, s29;
	s30 =	sshrl.u32 s11, $0x3;
	s11 =	sand.u32 $0x7, s11  }
0x42: {  	[tilespmem:s13+$0x1020 ss:$0x81] =	vst.msk $0xffff, v0;
	s15 =	sadd.s32 s3, s30;
	s11 =	sshll.u32 s11, $0x12  }
0x43: {  	[tilespmem:s13+$0x0 ss:$0x81] =	vst.msk $0xffff, v1;
	s31 =	sadd.s32 s14, s15;
	s11 =	sor.u32 $0x400, s11  }
0x44: {  	[hbm4b:s31+s11] =	stream.strided.scatter [tilespmem:s12], [sflag:$0x2], $0x2000, s8, s11, $0x20;
	[tilespmem:$0x8080] =	vst v63  }
.LBB1_6:
0x45: {  	_ =	sfence.sel $0x180000  }
0x46: {  	s2 =	simm.s32 $0x1;
	[bflag:$0x0] =	sbarrier.arrive $0xFFFF  }
0x47: {  	s31 =	simm.s32 $0x2;
	[sflag:s2] =	ssyncpa.u1 $0x1  }
0x48: {  	[sflag:s31] =	ssyncpa.u1 $0x1  }
0x49: {  	p0 =	sne.s32 s0, $0x0;
	_ =	strace $0x9000004D  }
0x4a: {  	s0 =	sadd.s32 @!p0 $0x100000, s1;
	[bflag:$0x2] =	sbarrier.arrive $0xFFFF  }
0x4b: {  	[sflag:s0] =	ssyncadd.tile.s32 @!p0 $0x1;
	_ =	shalt  }
.Lfunc_end1:
_tile_overlayer_lowered:
.L_overlay_start_2:
0x4c: {  	(tag) =	ssettag $0x2  }
0x4d: {  	s0 =	rddreg [dreg:$0x0];
	s2 =	stileid.u32  }
0x4e: {  	s1 =	rddreg [dreg:$0x1];
	p0 =	sne.s32 s2, $0x0  }
0x4f: {  	s3 =	rddreg [dreg:$0x2];
	[bflag:$0x3] =	sbarrier.arrive $0xFFFF;
	s2 =	simm.s32 @!p0 $0x1C01  }
0x50: {  	[timem:s3], [sflag:s2] =	dma.local @!p0 [hbm:s0], s1  }
0x51: {  	s0 =	simm.s32 @!p0 $0x1  }
0x52: {  	_ =	swait.ge @!p0 [sflag:s0], s1  }
0x53: {  	s1 =	ssub.s32 @!p0 $0x0, s1;
	[sflag:s0] =	ssyncset.done @!p0 $0x0  }
0x54: {  	[sflag:s0] =	ssyncadd.s32 @!p0 s1  }
0x55: {  	[bflag:$0x3] =	sbarrier.arrive $0xFFFF  }
0x56: {  	_ =	shalt  }

</sc_bundles>
